<compile_context>
chip_gen: v7x
topology: tpu7x:2x2x1
jax: 0.10.2.dev20260603
libtpu: 0.0.44.dev20260713+nightly
codegen_flags: <defaults>
</compile_context>

<pallas_src>
import functools

import jax
import jax.numpy as jnp
from jax import lax
from jax.experimental import pallas as pl
from jax.experimental.pallas import tpu as pltpu
from jax.experimental.pallas import tpu_sc as plsc

N = 10000
E = 160000
U = 32
MU = 32
DE = 16
BN_EPS = 1e-3

NC, NS = 2, 16
NW = NC * NS
W = 128
WPW = 40
EP = NW * WPW * W
NWIN = EP // W
PAD = EP - E
NSH = 10240
RPT = NSH // NS
DUMMY = N + 16
NSLAB = 1
EPS = EP // NSLAB
NWIN_S = NWIN // NSLAB

_vmesh = plsc.VectorSubcoreMesh(core_axis_name="c", subcore_axis_name="s")


@functools.partial(
    pl.kernel,
    mesh=_vmesh,
    out_type=jax.ShapeDtypeStruct((EPS, 128), jnp.float32),
    scratch_types=[
        pltpu.VMEM_SHARED((NSH, 128), jnp.float32),
    ],
)
def _gather_kernel(table_hbm, idx_hbm, out_hbm, table_sh):
    sid = lax.axis_index("s")
    pltpu.sync_copy(table_hbm.at[pl.ds(sid * RPT, RPT)],
                    table_sh.at[pl.ds(sid * RPT, RPT)])
    plsc.subcore_barrier()

    def body(i_vmem, o_vmem):
        pltpu.sync_copy(table_sh.at[i_vmem.at[0]], o_vmem)

    pltpu.emit_pipeline(
        body,
        grid=(NWIN_S,),
        in_specs=[pl.BlockSpec((1, W), lambda i: (0, i))],
        out_specs=[pl.BlockSpec((W, 128), lambda i: (i, 0))],
        core_axis_name=("c", "s"),
        dimension_semantics=(pltpu.PARALLEL,),
    )(idx_hbm, out_hbm)


@functools.partial(
    pl.kernel,
    mesh=_vmesh,
    out_type=jax.ShapeDtypeStruct((NC * NSH, 128), jnp.float32),
    scratch_types=[
        pltpu.VMEM_SHARED((NSH, 128), jnp.float32),
    ],
)
def _scatter_kernel(msg0, dst_hbm, zeros_hbm, sums_hbm, sums_sh):
    cid = lax.axis_index("c")
    sid = lax.axis_index("s")

    pltpu.sync_copy(zeros_hbm, sums_sh.at[pl.ds(sid * RPT, RPT)])
    plsc.subcore_barrier()

    def body(m_vmem, d_vmem):
        pltpu.sync_copy(m_vmem, sums_sh.at[d_vmem.at[0]], add=True)

    for s, msg_hbm in enumerate((msg0,)):
        pltpu.emit_pipeline(
            body,
            grid=(NWIN_S,),
            in_specs=[
                pl.BlockSpec((W, 128), lambda i: (i, 0)),
                pl.BlockSpec((1, W), lambda i, s=s: (0, s * NWIN_S + i)),
            ],
            out_specs=[],
            core_axis_name=("c", "s"),
            dimension_semantics=(pltpu.PARALLEL,),
        )(msg_hbm, dst_hbm)

    plsc.subcore_barrier()
    pltpu.sync_copy(sums_sh.at[pl.ds(sid * RPT, RPT)],
                    sums_hbm.at[pl.ds(cid * NSH + sid * RPT, RPT)])


BE = 4096


def _msg_body(ef_ref, src_ref, w1_ref, b1_ref, rh_ref, w2g_ref, b2t_ref,
              out_ref):
    src = src_ref[:, :U].astype(jnp.bfloat16)
    h = jnp.maximum(ef_ref[...] @ w1_ref[...] + b1_ref[...], 0.0)
    g2 = jax.lax.dot(src, w2g_ref[...],
                     preferred_element_type=jnp.float32)
    hrep = jax.lax.dot(h.astype(jnp.bfloat16), rh_ref[...],
                       preferred_element_type=jnp.float32)
    p = hrep * g2
    t = [p[:, 128 * a:128 * (a + 1)] for a in range(8)]
    acc = ((t[0] + t[1]) + (t[2] + t[3])) + ((t[4] + t[5]) + (t[6] + t[7]))
    msg = (acc[:, 0:32] + acc[:, 32:64]) + (acc[:, 64:96] + acc[:, 96:128])
    out_ref[:, :U] = msg + jax.lax.dot(src, b2t_ref[...],
                                       preferred_element_type=jnp.float32)
    out_ref[:, U:2 * U] = jnp.ones((BE, U), jnp.float32)


def _compute_messages(ef, src, w1, b1, rh, w2g, b2t):
    const = lambda shape: pl.BlockSpec(shape, lambda i: (0, 0))
    return pl.pallas_call(
        _msg_body,
        grid=(EPS // BE,),
        in_specs=[
            pl.BlockSpec((BE, DE), lambda i: (i, 0)),
            pl.BlockSpec((BE, 128), lambda i: (i, 0)),
            const((DE, U)),
            const((1, U)),
            const((U, U * MU)),
            const((U, U * MU)),
            const((U, U)),
        ],
        out_specs=pl.BlockSpec((BE, 128), lambda i: (i, 0)),
        out_shape=jax.ShapeDtypeStruct((EPS, 128), jnp.float32),
    )(ef, src, w1, b1, rh, w2g, b2t)


BNODE = 2000


def _final_body(sums_ref, ns_ref, gk_ref, grk_ref, gbi_ref,
                gbr_ref, gamma_ref, beta_ref, mean_ref, var_ref,
                out_ref, hnew_ref):
    both = sums_ref[0] + sums_ref[1]
    s = both[:, :U]
    c = both[:, U:U + 1]
    agg = s / jnp.maximum(c, 1.0)
    ns = ns_ref[...]
    xm = agg @ gk_ref[...] + gbi_ref[...]
    rm = ns @ grk_ref[...] + gbr_ref[...]
    z = jax.nn.sigmoid(xm[:, :U] + rm[:, :U])
    r = jax.nn.sigmoid(xm[:, U:2 * U] + rm[:, U:2 * U])
    hh = jnp.tanh(xm[:, 2 * U:] + r * rm[:, 2 * U:])
    h_new = z * ns + (1.0 - z) * hh
    o = gamma_ref[...] * (h_new - mean_ref[...]) * jax.lax.rsqrt(
        var_ref[...] + BN_EPS) + beta_ref[...]
    out_ref[...] = jnp.tanh(o)
    hnew_ref[...] = h_new


def _finalize(sums_p, node_state, gk, grk, gbi, gbr,
              gamma, beta, mean, var):
    const = lambda shape: pl.BlockSpec(shape, lambda i: (0, 0))
    return pl.pallas_call(
        _final_body,
        grid=(N // BNODE,),
        in_specs=[
            pl.BlockSpec((NC, BNODE, 128), lambda i: (0, i, 0)),
            pl.BlockSpec((BNODE, U), lambda i: (i, 0)),
            const((U, 3 * U)),
            const((U, 3 * U)),
            const((1, 3 * U)),
            const((1, 3 * U)),
            const((1, U)),
            const((1, U)),
            const((1, U)),
            const((1, U)),
        ],
        out_specs=[
            pl.BlockSpec((BNODE, U), lambda i: (i, 0)),
            pl.BlockSpec((BNODE, U), lambda i: (i, 0)),
        ],
        out_shape=[
            jax.ShapeDtypeStruct((N, U), jnp.float32),
            jax.ShapeDtypeStruct((N, U), jnp.float32),
        ],
    )(sums_p, node_state, gk, grk, gbi, gbr, gamma, beta, mean, var)


def kernel(node_features, edge_features, node_state, w1, b1, w2, b2,
           gru_k, gru_rk, gru_bi, gru_br, bn_gamma, bn_beta, bn_mean, bn_var,
           edge_indices):
    src_idx = jnp.concatenate(
        [edge_indices[0], jnp.zeros((PAD,), jnp.int32)]).reshape(1, EP)
    dst_idx = jnp.concatenate(
        [edge_indices[1], jnp.full((PAD,), DUMMY, jnp.int32)]
    ).reshape(1, EP)
    ef_p = jnp.pad(edge_features, ((0, PAD), (0, 0)))

    rh = jnp.repeat(jnp.eye(U, dtype=jnp.bfloat16), U, axis=1)
    w2g = w2.reshape(U, U, MU).transpose(2, 0, 1).reshape(MU, U * U)
    w2g = w2g.astype(jnp.bfloat16)
    b2t = b2.reshape(U, MU).T.astype(jnp.bfloat16)

    nf_p = jnp.pad(node_features, ((0, NSH - N), (0, 128 - U)))
    srcs = [_gather_kernel(nf_p, src_idx[:, s * EPS:(s + 1) * EPS])
            for s in range(NSLAB)]
    msgs = [_compute_messages(ef_p[s * EPS:(s + 1) * EPS], srcs[s],
                              w1, b1.reshape(1, U), rh, w2g, b2t)
            for s in range(NSLAB)]

    zeros = jnp.zeros((RPT, 128), jnp.float32)
    sums_p = _scatter_kernel(*msgs, dst_idx, zeros).reshape(NC, NSH, 128)

    return _finalize(sums_p, node_state, gru_k, gru_rk,
                     gru_bi.reshape(1, 3 * U), gru_br.reshape(1, 3 * U),
                     bn_gamma.reshape(1, U), bn_beta.reshape(1, U),
                     bn_mean.reshape(1, U), bn_var.reshape(1, U))

# --- scband reference (transcript-rebuilt; emitter-appended) ---
"""Pipeline reference for scband-message-block-47974784696408 (READ-ONLY COPY).

The authoritative reference and input builder live on the scoring server;
editing this copy changes nothing except your own understanding.
"""

import jax, jax.numpy as jnp
import numpy as np

N = 10000
E = 160000
UNITS = 32
MU = 32
DE = 16
BN_EPS = 1e-3


def setup_inputs(seed: int = 0) -> dict:
    key = jax.random.key(seed)
    ks = jax.random.split(key, 12)
    node_features = jax.random.normal(ks[0], (N, MU), dtype=jnp.float32)
    edge_features = jax.random.normal(ks[1], (E, DE), dtype=jnp.float32)
    edge_indices = jax.random.randint(ks[2], (2, E), 0, N, dtype=jnp.int32)
    node_state = jax.random.normal(ks[3], (N, UNITS), dtype=jnp.float32)
    # EdgeNetwork params: Dense(units) -> Dense(units*message_units)
    w1 = jax.random.normal(ks[4], (DE, UNITS), dtype=jnp.float32) * (2.0 / (DE + UNITS)) ** 0.5
    b1 = jnp.zeros((UNITS,), jnp.float32)
    w2 = jax.random.normal(ks[5], (UNITS, UNITS * MU), dtype=jnp.float32) * (2.0 / (UNITS + UNITS * MU)) ** 0.5
    b2 = jnp.zeros((UNITS * MU,), jnp.float32)
    # GRU params (keras GRU, reset_after=True)
    gru_k = jax.random.normal(ks[6], (UNITS, 3 * UNITS), dtype=jnp.float32) * (2.0 / (4 * UNITS)) ** 0.5
    gru_rk = jax.random.normal(ks[7], (UNITS, 3 * UNITS), dtype=jnp.float32) * (1.0 / UNITS) ** 0.5
    gru_bi = jnp.zeros((3 * UNITS,), jnp.float32)
    gru_br = jnp.zeros((3 * UNITS,), jnp.float32)
    # BatchNorm params (inference uses moving stats)
    bn_gamma = jnp.ones((UNITS,), jnp.float32)
    bn_beta = jnp.zeros((UNITS,), jnp.float32)
    bn_mean = jnp.zeros((UNITS,), jnp.float32)
    bn_var = jnp.ones((UNITS,), jnp.float32)
    return {
        "node_features": node_features,
        "edge_features": edge_features,
        "node_state": node_state,
        "w1": w1, "b1": b1, "w2": w2, "b2": b2,
        "gru_k": gru_k, "gru_rk": gru_rk, "gru_bi": gru_bi, "gru_br": gru_br,
        "bn_gamma": bn_gamma, "bn_beta": bn_beta, "bn_mean": bn_mean, "bn_var": bn_var,
        "edge_indices": edge_indices,
    }


def reference(node_features, edge_features, node_state, w1, b1, w2, b2,
              gru_k, gru_rk, gru_bi, gru_br, bn_gamma, bn_beta, bn_mean, bn_var,
              edge_indices):
    # EdgeNetwork: edge_features -> per-edge weight matrix [E, UNITS, MU]
    h = jnp.maximum(edge_features @ w1 + b1, 0.0)
    edge_weights = (h @ w2 + b2).reshape(-1, UNITS, MU)
    # compute messages: gather source node features, per-edge matvec
    src = jnp.take(node_features, edge_indices[0], axis=0)
    messages = jnp.einsum('bij,bj->bi', edge_weights, src)
    # aggregate (unsorted_segment_mean over destination nodes)
    dst = edge_indices[1]
    sums = jax.ops.segment_sum(messages, dst, num_segments=N)
    counts = jax.ops.segment_sum(jnp.ones((E,), jnp.float32), dst, num_segments=N)
    aggregated = sums / jnp.maximum(counts, 1.0)[:, None]
    # GRU update: one cell step per node (hidden state = node_state)
    xm = aggregated @ gru_k + gru_bi
    rm = node_state @ gru_rk + gru_br
    xz, xr, xh = jnp.split(xm, 3, axis=-1)
    rz, rr, rh = jnp.split(rm, 3, axis=-1)
    z = jax.nn.sigmoid(xz + rz)
    r = jax.nn.sigmoid(xr + rr)
    hh = jnp.tanh(xh + r * rh)
    h_new = z * node_state + (1.0 - z) * hh
    # batch norm (inference: moving stats) + update activation
    out = bn_gamma * (h_new - bn_mean) / jnp.sqrt(bn_var + BN_EPS) + bn_beta
    out = jnp.tanh(out)
    return out, h_new

if __name__ == "__main__":
    import jax
    _d = setup_inputs()
    print(jax.jit(kernel)(*tuple(_d.values())))

</pallas_src>

<mosaic_0001>
#map = affine_map<(d0, d1) -> (0, 0)>
module attributes {stable_mosaic.version = 14 : i64} {
  func.func @_gather_kernel(%arg0: i32, %arg1: i32, %arg2: memref<10240x128xf32, #tpu.memory_space<hbm>>, %arg3: memref<1x163840xi32, #tpu.memory_space<hbm>>, %arg4: memref<163840x128xf32, #tpu.memory_space<hbm>>, %arg5: memref<10240x128xf32, #tpu.memory_space<vmem_shared>>) attributes {dimension_semantics = [#tpu.dimension_semantics<core_parallel>, #tpu.dimension_semantics<subcore_parallel>], iteration_bounds = array<i64: 2, 16>, scalar_prefetch = 0 : i64, scratch_operands = 1 : i64, tpu.core_type = #tpu.core_type<sc_vector_subcore>, window_params = [{transform_indices = #map}, {transform_indices = #map}, {transform_indices = #map}]} {
    %mul3A = arith.constant 640 : i32
    %mul3A_0 = arith.muli %arg1, %mul3A : i32
    %mul3A_1 = arith.constant 640 : i32
    %mul3A_2 = arith.muli %arg1, %mul3A_1 : i32
    "tpu.region"() ({
      %run_scoped3A = tpu.sem_alloc : memref<!tpu.dma_semaphore, #tpu.memory_space<semaphore_mem>>
      %dma_start3A = arith.constant 0 : i32
      %dma_start3A_11 = tpu.memref_slice %arg5[%mul3A_2, %dma_start3A] : memref<10240x128xf32, #tpu.memory_space<vmem_shared>> -> memref<640x128xf32, #tpu.memory_space<vmem_shared>>
      %dma_start3A_12 = arith.constant 0 : i32
      %dma_start3A_13 = tpu.memref_slice %arg2[%mul3A_0, %dma_start3A_12] : memref<10240x128xf32, #tpu.memory_space<hbm>> -> memref<640x128xf32, #tpu.memory_space<hbm>>
      tpu.enqueue_dma source(%dma_start3A_13 : memref<640x128xf32, #tpu.memory_space<hbm>>) target(%dma_start3A_11 : memref<640x128xf32, #tpu.memory_space<vmem_shared>>) target_semaphore(%run_scoped3A : memref<!tpu.dma_semaphore, #tpu.memory_space<semaphore_mem>>)
      %dma_wait3A = arith.constant 0 : i32
      %dma_wait3A_14 = tpu.memref_slice %arg5[%mul3A_2, %dma_wait3A] : memref<10240x128xf32, #tpu.memory_space<vmem_shared>> -> memref<640x128xf32, #tpu.memory_space<vmem_shared>>
      %dma_wait3A_15 = arith.constant 0 : i32
      %dma_wait3A_16 = tpu.memref_slice %arg2[%mul3A_0, %dma_wait3A_15] : memref<10240x128xf32, #tpu.memory_space<hbm>> -> memref<640x128xf32, #tpu.memory_space<hbm>>
      tpu.wait_dma2 semaphore(%run_scoped3A : memref<!tpu.dma_semaphore, #tpu.memory_space<semaphore_mem>>) src(%dma_wait3A_16 : memref<640x128xf32, #tpu.memory_space<hbm>>) dst(%dma_wait3A_14 : memref<640x128xf32, #tpu.memory_space<vmem_shared>>)
      tpu.yield
    }) : () -> ()
    %barrier3A = arith.constant 0 : index
    tpu.barrier barrier_id(%barrier3A)
    %mul3A_3 = arith.constant 1 : i32
    %mul3A_4 = arith.muli %arg1, %mul3A_3 : i32
    %add3A = arith.constant 0 : i32
    %add3A_5 = arith.addi %add3A, %mul3A_4 : i32
    %mul3A_6 = arith.constant 16 : i32
    %mul3A_7 = arith.muli %arg0, %mul3A_6 : i32
    %add3A_8 = arith.addi %add3A_5, %mul3A_7 : i32
    %mul3A_9 = arith.constant 40 : i32
    %mul3A_10 = arith.muli %add3A_8, %mul3A_9 : i32
    "tpu.region"() ({
      %run_scoped3A = memref.alloca() : memref<2x1x128xi32, #tpu.memory_space<vmem>>
      %run_scoped3A_11 = tpu.sem_alloc : memref<2x!tpu.dma_semaphore, #tpu.memory_space<semaphore_mem>>
      %run_scoped3A_12 = memref.alloca() : memref<2x128x128xf32, #tpu.memory_space<vmem>>
      %run_scoped3A_13 = tpu.sem_alloc : memref<2x!tpu.dma_semaphore, #tpu.memory_space<semaphore_mem>>
      %add3A_14 = arith.constant 0 : i32
      %add3A_15 = arith.addi %add3A_14, %mul3A_10 : i32
      %select_n3A = arith.constant true
      %select_n3A_16 = arith.constant 0 : i32
      %select_n3A_17 = arith.constant -1 : i32
      %select_n3A_18 = arith.select %select_n3A, %select_n3A_17, %select_n3A_16 : i32
      %eq3A = arith.constant -1 : i32
      %eq3A_19 = arith.cmpi eq, %select_n3A_18, %eq3A : i32
      %select_n3A_20 = arith.constant 39 : i32
      %select_n3A_21 = arith.select %eq3A_19, %select_n3A_20, %select_n3A_18 : i32
      %add3A_22 = arith.addi %select_n3A_21, %mul3A_10 : i32
      %select_n3A_23 = arith.constant true
      %select_n3A_24 = arith.constant 0 : i32
      %select_n3A_25 = arith.constant 1 : i32
      %select_n3A_26 = arith.select %select_n3A_23, %select_n3A_25, %select_n3A_24 : i32
      %eq3A_27 = arith.constant 40 : i32
      %eq3A_28 = arith.cmpi eq, %select_n3A_26, %eq3A_27 : i32
      %select_n3A_29 = arith.constant 0 : i32
      %select_n3A_30 = arith.select %eq3A_28, %select_n3A_29, %select_n3A_26 : i32
      %add3A_31 = arith.addi %select_n3A_30, %mul3A_10 : i32
      %add3A_32 = arith.constant 1 : i32
      %add3A_33 = arith.addi %select_n3A_30, %add3A_32 : i32
      %select_n3A_34 = arith.constant true
      %select_n3A_35 = arith.select %select_n3A_34, %add3A_33, %select_n3A_30 : i32
      %eq3A_36 = arith.constant 40 : i32
      %eq3A_37 = arith.cmpi eq, %select_n3A_35, %eq3A_36 : i32
      %select_n3A_38 = arith.constant 0 : i32
      %select_n3A_39 = arith.select %eq3A_37, %select_n3A_38, %select_n3A_35 : i32
      %add3A_40 = arith.addi %select_n3A_39, %mul3A_10 : i32
      "tpu.trace_start"() <{level = 10 : i32, message = "ep_initialize_0"}> : () -> ()
      %rem3A = arith.constant 0 : i32
      %rem3A_41 = arith.constant 2 : i32
      %rem3A_42 = arith.remui %rem3A, %rem3A_41 : i32
      %mul3A_43 = arith.constant 128 : i32
      %mul3A_44 = arith.muli %mul3A_43, %add3A_15 : i32
      %dma_start3A = arith.constant 0 : i32
      %dma_start3A_45 = arith.constant 0 : i32
      %dma_start3A_46 = tpu.memref_slice %run_scoped3A[%rem3A_42, %dma_start3A, %dma_start3A_45] : memref<2x1x128xi32, #tpu.memory_space<vmem>> -> memref<1x1x128xi32, #tpu.memory_space<vmem>>
      %dma_start3A_47 = tpu.memref_squeeze %dma_start3A_46 : memref<1x1x128xi32, #tpu.memory_space<vmem>> -> memref<1x128xi32, #tpu.memory_space<vmem>>
      %dma_start3A_48 = arith.constant 0 : i32
      %dma_start3A_49 = tpu.memref_slice %arg3[%dma_start3A_48, %mul3A_44] : memref<1x163840xi32, #tpu.memory_space<hbm>> -> memref<1x128xi32, #tpu.memory_space<hbm>>
      %dma_start3A_50 = tpu.memref_slice %run_scoped3A_11[%rem3A_42] : memref<2x!tpu.dma_semaphore, #tpu.memory_space<semaphore_mem>> -> memref<1x!tpu.dma_semaphore, #tpu.memory_space<semaphore_mem>>
      %dma_start3A_51 = tpu.memref_squeeze %dma_start3A_50 : memref<1x!tpu.dma_semaphore, #tpu.memory_space<semaphore_mem>> -> memref<!tpu.dma_semaphore, #tpu.memory_space<semaphore_mem>>
      %dma_start3A_52 = arith.constant 0 : i32
      %dma_start3A_53 = arith.constant 0 : i32
      %dma_start3A_54 = tpu.memref_slice %run_scoped3A[%rem3A_42, %dma_start3A_52, %dma_start3A_53] : memref<2x1x128xi32, #tpu.memory_space<vmem>> -> memref<1x1x128xi32, #tpu.memory_space<vmem>>
      %dma_start3A_55 = tpu.memref_squeeze %dma_start3A_54 : memref<1x1x128xi32, #tpu.memory_space<vmem>> -> memref<1x128xi32, #tpu.memory_space<vmem>>
      %dma_start3A_56 = arith.constant 0 : i32
      %dma_start3A_57 = tpu.memref_slice %arg3[%dma_start3A_56, %mul3A_44] : memref<1x163840xi32, #tpu.memory_space<hbm>> -> memref<1x128xi32, #tpu.memory_space<hbm>>
      tpu.enqueue_dma source(%dma_start3A_57 : memref<1x128xi32, #tpu.memory_space<hbm>>) target(%dma_start3A_55 : memref<1x128xi32, #tpu.memory_space<vmem>>) target_semaphore(%dma_start3A_51 : memref<!tpu.dma_semaphore, #tpu.memory_space<semaphore_mem>>)
      %add3A_58 = arith.constant 0 : i32
      %add3A_59 = arith.constant 1 : i32
      %add3A_60 = arith.addi %add3A_58, %add3A_59 : i32
      %select_n3A_61 = arith.constant true
      %select_n3A_62 = arith.constant 0 : i32
      %select_n3A_63 = arith.select %select_n3A_61, %add3A_60, %select_n3A_62 : i32
      "tpu.trace_stop"() : () -> ()
      %scan3A = arith.constant 0 : i32
      %scan3A_64 = arith.constant 0 : i32
      %scan3A_65 = arith.constant 0 : i32
      %scan3A_66 = arith.constant 0 : i32
      %scan3A_67 = arith.constant 0 : i32
      %scan3A_68 = arith.constant 40 : i32
      %scan3A_69 = arith.addi %scan3A_67, %scan3A_68 : i32
      %scan3A_70 = arith.constant 1 : i32
      %scan3A_71:5 = scf.for %scan3A_125 = %scan3A_67 to %scan3A_69 step %scan3A_70 iter_args(%scan3A_126 = %select_n3A_63, %scan3A_127 = %scan3A, %scan3A_128 = %scan3A_64, %scan3A_129 = %scan3A_65, %scan3A_130 = %scan3A_66) -> (i32, i32, i32, i32, i32)  : i32 {
        %eq3A_131 = arith.constant 0 : i32
        %eq3A_132 = arith.cmpi eq, %scan3A_125, %eq3A_131 : i32
        %eq3A_133 = arith.constant 39 : i32
        %eq3A_134 = arith.cmpi eq, %scan3A_125, %eq3A_133 : i32
        %add3A_135 = arith.addi %scan3A_130, %mul3A_10 : i32
        %sub3A_136 = arith.constant 1 : i32
        %sub3A_137 = arith.subi %scan3A_130, %sub3A_136 : i32
        %select_n3A_138 = arith.constant true
        %select_n3A_139 = arith.select %select_n3A_138, %sub3A_137, %scan3A_130 : i32
        %eq3A_140 = arith.constant -1 : i32
        %eq3A_141 = arith.cmpi eq, %select_n3A_139, %eq3A_140 : i32
        %select_n3A_142 = arith.constant 39 : i32
        %select_n3A_143 = arith.select %eq3A_141, %select_n3A_142, %select_n3A_139 : i32
        %add3A_144 = arith.addi %select_n3A_143, %mul3A_10 : i32
        %add3A_145 = arith.constant 1 : i32
        %add3A_146 = arith.addi %scan3A_130, %add3A_145 : i32
        %select_n3A_147 = arith.constant true
        %select_n3A_148 = arith.select %select_n3A_147, %add3A_146, %scan3A_130 : i32
        %eq3A_149 = arith.constant 40 : i32
        %eq3A_150 = arith.cmpi eq, %select_n3A_148, %eq3A_149 : i32
        %select_n3A_151 = arith.constant 0 : i32
        %select_n3A_152 = arith.select %eq3A_150, %select_n3A_151, %select_n3A_148 : i32
        %add3A_153 = arith.addi %select_n3A_152, %mul3A_10 : i32
        %add3A_154 = arith.constant 1 : i32
        %add3A_155 = arith.addi %select_n3A_152, %add3A_154 : i32
        %select_n3A_156 = arith.constant true
        %select_n3A_157 = arith.select %select_n3A_156, %add3A_155, %select_n3A_152 : i32
        %eq3A_158 = arith.constant 40 : i32
        %eq3A_159 = arith.cmpi eq, %select_n3A_157, %eq3A_158 : i32
        %select_n3A_160 = arith.constant 0 : i32
        %select_n3A_161 = arith.select %eq3A_159, %select_n3A_160, %select_n3A_157 : i32
        %add3A_162 = arith.addi %select_n3A_161, %mul3A_10 : i32
        %ne3A = arith.cmpi ne, %add3A_135, %add3A_153 : i32
        %or3A = arith.constant false
        %or3A_163 = arith.ori %or3A, %ne3A : i1
        %ge3A = arith.constant 39 : i32
        %ge3A_164 = arith.cmpi sge, %scan3A_125, %ge3A : i32
        %not3A = arith.constant true
        %not3A_165 = arith.xori %ge3A_164, %not3A : i1
        %and3A = arith.andi %or3A_163, %not3A_165 : i1
        %convert_element_type3A = arith.extui %and3A : i1 to i32
        %cond3A = arith.constant 0 : i32
        %cond3A_166 = arith.cmpi ne, %convert_element_type3A, %cond3A : i32
        scf.if %cond3A_166 {
          "tpu.trace_start"() <{level = 10 : i32, message = "ep_copy_in"}> : () -> ()
          %rem3A_268 = arith.constant 2 : i32
          %rem3A_269 = arith.remui %scan3A_126, %rem3A_268 : i32
          %mul3A_270 = arith.constant 128 : i32
          %mul3A_271 = arith.muli %mul3A_270, %add3A_153 : i32
          %dma_start3A_272 = arith.constant 0 : i32
          %dma_start3A_273 = arith.constant 0 : i32
          %dma_start3A_274 = tpu.memref_slice %run_scoped3A[%rem3A_269, %dma_start3A_272, %dma_start3A_273] : memref<2x1x128xi32, #tpu.memory_space<vmem>> -> memref<1x1x128xi32, #tpu.memory_space<vmem>>
          %dma_start3A_275 = tpu.memref_squeeze %dma_start3A_274 : memref<1x1x128xi32, #tpu.memory_space<vmem>> -> memref<1x128xi32, #tpu.memory_space<vmem>>
          %dma_start3A_276 = arith.constant 0 : i32
          %dma_start3A_277 = tpu.memref_slice %arg3[%dma_start3A_276, %mul3A_271] : memref<1x163840xi32, #tpu.memory_space<hbm>> -> memref<1x128xi32, #tpu.memory_space<hbm>>
          %dma_start3A_278 = tpu.memref_slice %run_scoped3A_11[%rem3A_269] : memref<2x!tpu.dma_semaphore, #tpu.memory_space<semaphore_mem>> -> memref<1x!tpu.dma_semaphore, #tpu.memory_space<semaphore_mem>>
          %dma_start3A_279 = tpu.memref_squeeze %dma_start3A_278 : memref<1x!tpu.dma_semaphore, #tpu.memory_space<semaphore_mem>> -> memref<!tpu.dma_semaphore, #tpu.memory_space<semaphore_mem>>
          %dma_start3A_280 = arith.constant 0 : i32
          %dma_start3A_281 = arith.constant 0 : i32
          %dma_start3A_282 = tpu.memref_slice %run_scoped3A[%rem3A_269, %dma_start3A_280, %dma_start3A_281] : memref<2x1x128xi32, #tpu.memory_space<vmem>> -> memref<1x1x128xi32, #tpu.memory_space<vmem>>
          %dma_start3A_283 = tpu.memref_squeeze %dma_start3A_282 : memref<1x1x128xi32, #tpu.memory_space<vmem>> -> memref<1x128xi32, #tpu.memory_space<vmem>>
          %dma_start3A_284 = arith.constant 0 : i32
          %dma_start3A_285 = tpu.memref_slice %arg3[%dma_start3A_284, %mul3A_271] : memref<1x163840xi32, #tpu.memory_space<hbm>> -> memref<1x128xi32, #tpu.memory_space<hbm>>
          tpu.enqueue_dma source(%dma_start3A_285 : memref<1x128xi32, #tpu.memory_space<hbm>>) target(%dma_start3A_283 : memref<1x128xi32, #tpu.memory_space<vmem>>) target_semaphore(%dma_start3A_279 : memref<!tpu.dma_semaphore, #tpu.memory_space<semaphore_mem>>)
          "tpu.trace_stop"() : () -> ()
        } else {
        }
        %and3A_167 = arith.constant true
        %and3A_168 = arith.andi %and3A, %and3A_167 : i1
        %add3A_169 = arith.constant 1 : i32
        %add3A_170 = arith.addi %scan3A_126, %add3A_169 : i32
        %select_n3A_171 = arith.select %and3A_168, %add3A_170, %scan3A_126 : i32
        %ne3A_172 = arith.cmpi ne, %add3A_135, %add3A_153 : i32
        %or3A_173 = arith.constant false
        %or3A_174 = arith.ori %or3A_173, %ne3A_172 : i1
        %or3A_175 = arith.constant false
        %or3A_176 = arith.ori %or3A_174, %or3A_175 : i1
        %ge3A_177 = arith.constant 39 : i32
        %ge3A_178 = arith.cmpi sge, %scan3A_125, %ge3A_177 : i32
        %not3A_179 = arith.constant true
        %not3A_180 = arith.xori %ge3A_178, %not3A_179 : i1
        %and3A_181 = arith.andi %or3A_176, %not3A_180 : i1
        %ne3A_182 = arith.cmpi ne, %add3A_135, %add3A_144 : i32
        %or3A_183 = arith.constant false
        %or3A_184 = arith.ori %or3A_183, %ne3A_182 : i1
        %or3A_185 = arith.ori %or3A_184, %eq3A_132 : i1
        %convert_element_type3A_186 = arith.extui %or3A_185 : i1 to i32
        %cond3A_187 = arith.constant 0 : i32
        %cond3A_188 = arith.cmpi ne, %convert_element_type3A_186, %cond3A_187 : i32
        scf.if %cond3A_188 {
          "tpu.trace_start"() <{level = 10 : i32, message = "ep_wait_in"}> : () -> ()
          %mul3A_268 = arith.constant 128 : i32
          %mul3A_269 = arith.muli %mul3A_268, %add3A_135 : i32
          %rem3A_270 = arith.constant 2 : i32
          %rem3A_271 = arith.remui %scan3A_127, %rem3A_270 : i32
          %dma_wait3A_272 = arith.constant 0 : i32
          %dma_wait3A_273 = arith.constant 0 : i32
          %dma_wait3A_274 = tpu.memref_slice %run_scoped3A[%rem3A_271, %dma_wait3A_272, %dma_wait3A_273] : memref<2x1x128xi32, #tpu.memory_space<vmem>> -> memref<1x1x128xi32, #tpu.memory_space<vmem>>
          %dma_wait3A_275 = tpu.memref_squeeze %dma_wait3A_274 : memref<1x1x128xi32, #tpu.memory_space<vmem>> -> memref<1x128xi32, #tpu.memory_space<vmem>>
          %dma_wait3A_276 = arith.constant 0 : i32
          %dma_wait3A_277 = tpu.memref_slice %arg3[%dma_wait3A_276, %mul3A_269] : memref<1x163840xi32, #tpu.memory_space<hbm>> -> memref<1x128xi32, #tpu.memory_space<hbm>>
          %dma_wait3A_278 = tpu.memref_slice %run_scoped3A_11[%rem3A_271] : memref<2x!tpu.dma_semaphore, #tpu.memory_space<semaphore_mem>> -> memref<1x!tpu.dma_semaphore, #tpu.memory_space<semaphore_mem>>
          %dma_wait3A_279 = tpu.memref_squeeze %dma_wait3A_278 : memref<1x!tpu.dma_semaphore, #tpu.memory_space<semaphore_mem>> -> memref<!tpu.dma_semaphore, #tpu.memory_space<semaphore_mem>>
          %dma_wait3A_280 = arith.constant 0 : i32
          %dma_wait3A_281 = arith.constant 0 : i32
          %dma_wait3A_282 = tpu.memref_slice %run_scoped3A[%rem3A_271, %dma_wait3A_280, %dma_wait3A_281] : memref<2x1x128xi32, #tpu.memory_space<vmem>> -> memref<1x1x128xi32, #tpu.memory_space<vmem>>
          %dma_wait3A_283 = tpu.memref_squeeze %dma_wait3A_282 : memref<1x1x128xi32, #tpu.memory_space<vmem>> -> memref<1x128xi32, #tpu.memory_space<vmem>>
          %dma_wait3A_284 = arith.constant 0 : i32
          %dma_wait3A_285 = tpu.memref_slice %arg3[%dma_wait3A_284, %mul3A_269] : memref<1x163840xi32, #tpu.memory_space<hbm>> -> memref<1x128xi32, #tpu.memory_space<hbm>>
          tpu.wait_dma2 semaphore(%dma_wait3A_279 : memref<!tpu.dma_semaphore, #tpu.memory_space<semaphore_mem>>) src(%dma_wait3A_285 : memref<1x128xi32, #tpu.memory_space<hbm>>) dst(%dma_wait3A_283 : memref<1x128xi32, #tpu.memory_space<vmem>>)
          "tpu.trace_stop"() : () -> ()
        } else {
        }
        %ne3A_189 = arith.cmpi ne, %add3A_135, %add3A_144 : i32
        %or3A_190 = arith.constant false
        %or3A_191 = arith.ori %or3A_190, %ne3A_189 : i1
        %or3A_192 = arith.constant false
        %or3A_193 = arith.ori %or3A_191, %or3A_192 : i1
        %or3A_194 = arith.ori %or3A_193, %eq3A_132 : i1
        %convert_element_type3A_195 = arith.extui %or3A_194 : i1 to i32
        %cond3A_196 = arith.constant 0 : i32
        %cond3A_197 = arith.cmpi ne, %convert_element_type3A_195, %cond3A_196 : i32
        scf.if %cond3A_197 {
        } else {
        }
        %rem3A_198 = arith.constant 2 : i32
        %rem3A_199 = arith.remui %scan3A_127, %rem3A_198 : i32
        %rem3A_200 = arith.constant 2 : i32
        %rem3A_201 = arith.remui %scan3A_128, %rem3A_200 : i32
        %run_scoped3A_202 = arith.constant 0 : i32
        "tpu.trace_start"() <{level = 10 : i32, message = "ep_run_kernel"}> : () -> ()
        "tpu.region"() ({
          %run_scoped3A_268 = tpu.sem_alloc : memref<!tpu.dma_semaphore, #tpu.memory_space<semaphore_mem>>
          %dma_start3A_269 = arith.constant 0 : i32
          %dma_start3A_270 = arith.constant 0 : i32
          %dma_start3A_271 = tpu.memref_slice %run_scoped3A_12[%rem3A_201, %dma_start3A_269, %dma_start3A_270] : memref<2x128x128xf32, #tpu.memory_space<vmem>> -> memref<1x128x128xf32, #tpu.memory_space<vmem>>
          %dma_start3A_272 = tpu.memref_squeeze %dma_start3A_271 : memref<1x128x128xf32, #tpu.memory_space<vmem>> -> memref<128x128xf32, #tpu.memory_space<vmem>>
          %dma_start3A_273 = arith.constant 0 : i32
          %dma_start3A_274 = arith.constant 0 : i32
          %dma_start3A_275 = tpu.memref_slice %run_scoped3A[%rem3A_199, %dma_start3A_273, %dma_start3A_274] : memref<2x1x128xi32, #tpu.memory_space<vmem>> -> memref<1x1x128xi32, #tpu.memory_space<vmem>>
          %dma_start3A_276 = tpu.memref_squeeze %dma_start3A_275 : memref<1x1x128xi32, #tpu.memory_space<vmem>> -> memref<1x128xi32, #tpu.memory_space<vmem>>
          %dma_start3A_277 = arith.constant 0 : i32
          %dma_start3A_278 = tpu.memref_slice %dma_start3A_276[%run_scoped3A_202, %dma_start3A_277] : memref<1x128xi32, #tpu.memory_space<vmem>> -> memref<1x128xi32, #tpu.memory_space<vmem>>
          %dma_start3A_279 = tpu.memref_squeeze %dma_start3A_278 : memref<1x128xi32, #tpu.memory_space<vmem>> -> memref<128xi32, #tpu.memory_space<vmem>>
          %dma_start3A_280 = arith.constant 0 : i32
          %dma_start3A_281 = arith.constant 0 : i32
          %dma_start3A_282 = tpu.memref_slice %arg5[%dma_start3A_280, %dma_start3A_281] : memref<10240x128xf32, #tpu.memory_space<vmem_shared>> -> memref<10240x128xf32, #tpu.memory_space<vmem_shared>>
          tpu.enqueue_indirect_dma source(%dma_start3A_282 : memref<10240x128xf32, #tpu.memory_space<vmem_shared>>) target(%dma_start3A_272 : memref<128x128xf32, #tpu.memory_space<vmem>>) offsets(%dma_start3A_279 : memref<128xi32, #tpu.memory_space<vmem>>) semaphore(%run_scoped3A_268 : memref<!tpu.dma_semaphore, #tpu.memory_space<semaphore_mem>>)
          %dma_wait3A_283 = arith.constant 0 : i32
          %dma_wait3A_284 = arith.constant 0 : i32
          %dma_wait3A_285 = tpu.memref_slice %run_scoped3A_12[%rem3A_201, %dma_wait3A_283, %dma_wait3A_284] : memref<2x128x128xf32, #tpu.memory_space<vmem>> -> memref<1x128x128xf32, #tpu.memory_space<vmem>>
          %dma_wait3A_286 = tpu.memref_squeeze %dma_wait3A_285 : memref<1x128x128xf32, #tpu.memory_space<vmem>> -> memref<128x128xf32, #tpu.memory_space<vmem>>
          %dma_wait3A_287 = arith.constant 0 : i32
          %dma_wait3A_288 = arith.constant 0 : i32
          %dma_wait3A_289 = tpu.memref_slice %run_scoped3A[%rem3A_199, %dma_wait3A_287, %dma_wait3A_288] : memref<2x1x128xi32, #tpu.memory_space<vmem>> -> memref<1x1x128xi32, #tpu.memory_space<vmem>>
          %dma_wait3A_290 = tpu.memref_squeeze %dma_wait3A_289 : memref<1x1x128xi32, #tpu.memory_space<vmem>> -> memref<1x128xi32, #tpu.memory_space<vmem>>
          %dma_wait3A_291 = arith.constant 0 : i32
          %dma_wait3A_292 = tpu.memref_slice %dma_wait3A_290[%run_scoped3A_202, %dma_wait3A_291] : memref<1x128xi32, #tpu.memory_space<vmem>> -> memref<1x128xi32, #tpu.memory_space<vmem>>
          %dma_wait3A_293 = tpu.memref_squeeze %dma_wait3A_292 : memref<1x128xi32, #tpu.memory_space<vmem>> -> memref<128xi32, #tpu.memory_space<vmem>>
          %dma_wait3A_294 = arith.constant 0 : i32
          %dma_wait3A_295 = arith.constant 0 : i32
          %dma_wait3A_296 = tpu.memref_slice %arg5[%dma_wait3A_294, %dma_wait3A_295] : memref<10240x128xf32, #tpu.memory_space<vmem_shared>> -> memref<10240x128xf32, #tpu.memory_space<vmem_shared>>
          tpu.wait_indirect_dma semaphore(%run_scoped3A_268 : memref<!tpu.dma_semaphore, #tpu.memory_space<semaphore_mem>>) src(%dma_wait3A_296 : memref<10240x128xf32, #tpu.memory_space<vmem_shared>>) dst(%dma_wait3A_286 : memref<128x128xf32, #tpu.memory_space<vmem>>)
          tpu.yield
        }) : () -> ()
        "tpu.trace_stop"() : () -> ()
        %ne3A_203 = arith.cmpi ne, %add3A_135, %add3A_153 : i32
        %or3A_204 = arith.constant false
        %or3A_205 = arith.ori %or3A_204, %ne3A_203 : i1
        %or3A_206 = arith.ori %or3A_205, %eq3A_134 : i1
        %convert_element_type3A_207 = arith.extui %or3A_206 : i1 to i32
        %cond3A_208 = arith.constant 0 : i32
        %cond3A_209 = arith.cmpi ne, %convert_element_type3A_207, %cond3A_208 : i32
        scf.if %cond3A_209 {
        } else {
        }
        %and3A_210 = arith.constant false
        %and3A_211 = arith.andi %or3A_206, %and3A_210 : i1
        %ne3A_212 = arith.cmpi ne, %add3A_135, %add3A_153 : i32
        %or3A_213 = arith.constant false
        %or3A_214 = arith.ori %or3A_213, %ne3A_212 : i1
        %or3A_215 = arith.constant false
        %or3A_216 = arith.ori %or3A_214, %or3A_215 : i1
        %or3A_217 = arith.ori %or3A_216, %eq3A_134 : i1
        %convert_element_type3A_218 = arith.extui %or3A_217 : i1 to i32
        %cond3A_219 = arith.constant 0 : i32
        %cond3A_220 = arith.cmpi ne, %convert_element_type3A_218, %cond3A_219 : i32
        scf.if %cond3A_220 {
          "tpu.trace_start"() <{level = 10 : i32, message = "ep_copy_out"}> : () -> ()
          %rem3A_268 = arith.constant 2 : i32
          %rem3A_269 = arith.remui %scan3A_128, %rem3A_268 : i32
          %mul3A_270 = arith.constant 128 : i32
          %mul3A_271 = arith.muli %mul3A_270, %add3A_135 : i32
          %dma_start3A_272 = arith.constant 0 : i32
          %dma_start3A_273 = arith.constant 0 : i32
          %dma_start3A_274 = tpu.memref_slice %run_scoped3A_12[%rem3A_269, %dma_start3A_272, %dma_start3A_273] : memref<2x128x128xf32, #tpu.memory_space<vmem>> -> memref<1x128x128xf32, #tpu.memory_space<vmem>>
          %dma_start3A_275 = tpu.memref_squeeze %dma_start3A_274 : memref<1x128x128xf32, #tpu.memory_space<vmem>> -> memref<128x128xf32, #tpu.memory_space<vmem>>
          %dma_start3A_276 = arith.constant 0 : i32
          %dma_start3A_277 = tpu.memref_slice %arg4[%mul3A_271, %dma_start3A_276] : memref<163840x128xf32, #tpu.memory_space<hbm>> -> memref<128x128xf32, #tpu.memory_space<hbm>>
          %dma_start3A_278 = tpu.memref_slice %run_scoped3A_13[%rem3A_269] : memref<2x!tpu.dma_semaphore, #tpu.memory_space<semaphore_mem>> -> memref<1x!tpu.dma_semaphore, #tpu.memory_space<semaphore_mem>>
          %dma_start3A_279 = tpu.memref_squeeze %dma_start3A_278 : memref<1x!tpu.dma_semaphore, #tpu.memory_space<semaphore_mem>> -> memref<!tpu.dma_semaphore, #tpu.memory_space<semaphore_mem>>
          %dma_start3A_280 = arith.constant 0 : i32
          %dma_start3A_281 = tpu.memref_slice %arg4[%mul3A_271, %dma_start3A_280] : memref<163840x128xf32, #tpu.memory_space<hbm>> -> memref<128x128xf32, #tpu.memory_space<hbm>>
          %dma_start3A_282 = arith.constant 0 : i32
          %dma_start3A_283 = arith.constant 0 : i32
          %dma_start3A_284 = tpu.memref_slice %run_scoped3A_12[%rem3A_269, %dma_start3A_282, %dma_start3A_283] : memref<2x128x128xf32, #tpu.memory_space<vmem>> -> memref<1x128x128xf32, #tpu.memory_space<vmem>>
          %dma_start3A_285 = tpu.memref_squeeze %dma_start3A_284 : memref<1x128x128xf32, #tpu.memory_space<vmem>> -> memref<128x128xf32, #tpu.memory_space<vmem>>
          tpu.enqueue_dma source(%dma_start3A_285 : memref<128x128xf32, #tpu.memory_space<vmem>>) target(%dma_start3A_281 : memref<128x128xf32, #tpu.memory_space<hbm>>) target_semaphore(%dma_start3A_279 : memref<!tpu.dma_semaphore, #tpu.memory_space<semaphore_mem>>)
          "tpu.trace_stop"() : () -> ()
        } else {
        }
        %and3A_221 = arith.constant true
        %and3A_222 = arith.andi %or3A_217, %and3A_221 : i1
        %add3A_223 = arith.constant 1 : i32
        %add3A_224 = arith.addi %scan3A_128, %add3A_223 : i32
        %select_n3A_225 = arith.select %and3A_222, %add3A_224, %scan3A_128 : i32
        %ne3A_226 = arith.cmpi ne, %add3A_135, %add3A_144 : i32
        %or3A_227 = arith.constant false
        %or3A_228 = arith.ori %or3A_227, %ne3A_226 : i1
        %not3A_229 = arith.constant true
        %not3A_230 = arith.xori %eq3A_132, %not3A_229 : i1
        %and3A_231 = arith.andi %or3A_228, %not3A_230 : i1
        %convert_element_type3A_232 = arith.extui %and3A_231 : i1 to i32
        %cond3A_233 = arith.constant 0 : i32
        %cond3A_234 = arith.cmpi ne, %convert_element_type3A_232, %cond3A_233 : i32
        scf.if %cond3A_234 {
        } else {
        }
        %and3A_235 = arith.constant false
        %and3A_236 = arith.andi %and3A_231, %and3A_235 : i1
        %ne3A_237 = arith.cmpi ne, %add3A_135, %add3A_144 : i32
        %or3A_238 = arith.constant false
        %or3A_239 = arith.ori %or3A_238, %ne3A_237 : i1
        %or3A_240 = arith.constant false
        %or3A_241 = arith.ori %or3A_239, %or3A_240 : i1
        %not3A_242 = arith.constant true
        %not3A_243 = arith.xori %eq3A_132, %not3A_242 : i1
        %and3A_244 = arith.andi %or3A_241, %not3A_243 : i1
        %convert_element_type3A_245 = arith.extui %and3A_244 : i1 to i32
        %cond3A_246 = arith.constant 0 : i32
        %cond3A_247 = arith.cmpi ne, %convert_element_type3A_245, %cond3A_246 : i32
        scf.if %cond3A_247 {
          "tpu.trace_start"() <{level = 10 : i32, message = "ep_wait_out"}> : () -> ()
          %rem3A_268 = arith.constant 2 : i32
          %rem3A_269 = arith.remui %scan3A_129, %rem3A_268 : i32
          %mul3A_270 = arith.constant 128 : i32
          %mul3A_271 = arith.muli %mul3A_270, %add3A_144 : i32
          %dma_wait3A_272 = arith.constant 0 : i32
          %dma_wait3A_273 = arith.constant 0 : i32
          %dma_wait3A_274 = tpu.memref_slice %run_scoped3A_12[%rem3A_269, %dma_wait3A_272, %dma_wait3A_273] : memref<2x128x128xf32, #tpu.memory_space<vmem>> -> memref<1x128x128xf32, #tpu.memory_space<vmem>>
          %dma_wait3A_275 = tpu.memref_squeeze %dma_wait3A_274 : memref<1x128x128xf32, #tpu.memory_space<vmem>> -> memref<128x128xf32, #tpu.memory_space<vmem>>
          %dma_wait3A_276 = arith.constant 0 : i32
          %dma_wait3A_277 = tpu.memref_slice %arg4[%mul3A_271, %dma_wait3A_276] : memref<163840x128xf32, #tpu.memory_space<hbm>> -> memref<128x128xf32, #tpu.memory_space<hbm>>
          %dma_wait3A_278 = tpu.memref_slice %run_scoped3A_13[%rem3A_269] : memref<2x!tpu.dma_semaphore, #tpu.memory_space<semaphore_mem>> -> memref<1x!tpu.dma_semaphore, #tpu.memory_space<semaphore_mem>>
          %dma_wait3A_279 = tpu.memref_squeeze %dma_wait3A_278 : memref<1x!tpu.dma_semaphore, #tpu.memory_space<semaphore_mem>> -> memref<!tpu.dma_semaphore, #tpu.memory_space<semaphore_mem>>
          %dma_wait3A_280 = arith.constant 0 : i32
          %dma_wait3A_281 = tpu.memref_slice %arg4[%mul3A_271, %dma_wait3A_280] : memref<163840x128xf32, #tpu.memory_space<hbm>> -> memref<128x128xf32, #tpu.memory_space<hbm>>
          %dma_wait3A_282 = arith.constant 0 : i32
          %dma_wait3A_283 = arith.constant 0 : i32
          %dma_wait3A_284 = tpu.memref_slice %run_scoped3A_12[%rem3A_269, %dma_wait3A_282, %dma_wait3A_283] : memref<2x128x128xf32, #tpu.memory_space<vmem>> -> memref<1x128x128xf32, #tpu.memory_space<vmem>>
          %dma_wait3A_285 = tpu.memref_squeeze %dma_wait3A_284 : memref<1x128x128xf32, #tpu.memory_space<vmem>> -> memref<128x128xf32, #tpu.memory_space<vmem>>
          tpu.wait_dma2 semaphore(%dma_wait3A_279 : memref<!tpu.dma_semaphore, #tpu.memory_space<semaphore_mem>>) src(%dma_wait3A_285 : memref<128x128xf32, #tpu.memory_space<vmem>>) dst(%dma_wait3A_281 : memref<128x128xf32, #tpu.memory_space<hbm>>)
          "tpu.trace_stop"() : () -> ()
        } else {
        }
        %and3A_248 = arith.constant true
        %and3A_249 = arith.andi %and3A_244, %and3A_248 : i1
        %add3A_250 = arith.constant 1 : i32
        %add3A_251 = arith.addi %scan3A_129, %add3A_250 : i32
        %select_n3A_252 = arith.select %and3A_249, %add3A_251, %scan3A_129 : i32
        %ne3A_253 = arith.cmpi ne, %add3A_135, %add3A_153 : i32
        %or3A_254 = arith.constant false
        %or3A_255 = arith.ori %or3A_254, %ne3A_253 : i1
        %or3A_256 = arith.ori %or3A_255, %eq3A_134 : i1
        %add3A_257 = arith.constant 1 : i32
        %add3A_258 = arith.addi %scan3A_127, %add3A_257 : i32
        %select_n3A_259 = arith.select %or3A_256, %add3A_258, %scan3A_127 : i32
        %add3A_260 = arith.constant 1 : i32
        %add3A_261 = arith.addi %scan3A_130, %add3A_260 : i32
        %select_n3A_262 = arith.constant true
        %select_n3A_263 = arith.select %select_n3A_262, %add3A_261, %scan3A_130 : i32
        %eq3A_264 = arith.constant 40 : i32
        %eq3A_265 = arith.cmpi eq, %select_n3A_263, %eq3A_264 : i32
        %select_n3A_266 = arith.constant 0 : i32
        %select_n3A_267 = arith.select %eq3A_265, %select_n3A_266, %select_n3A_263 : i32
        scf.yield %select_n3A_171, %select_n3A_259, %select_n3A_225, %select_n3A_252, %select_n3A_267 : i32, i32, i32, i32, i32
      }
      %scan3A_72 = arith.constant 40 : i32
      %sub3A = arith.constant 1 : i32
      %sub3A_73 = arith.subi %scan3A_71#4, %sub3A : i32
      %select_n3A_74 = arith.constant true
      %select_n3A_75 = arith.select %select_n3A_74, %sub3A_73, %scan3A_71#4 : i32
      %eq3A_76 = arith.constant -1 : i32
      %eq3A_77 = arith.cmpi eq, %select_n3A_75, %eq3A_76 : i32
      %select_n3A_78 = arith.constant 39 : i32
      %select_n3A_79 = arith.select %eq3A_77, %select_n3A_78, %select_n3A_75 : i32
      %add3A_80 = arith.addi %select_n3A_79, %mul3A_10 : i32
      %sub3A_81 = arith.constant 1 : i32
      %sub3A_82 = arith.subi %select_n3A_79, %sub3A_81 : i32
      %select_n3A_83 = arith.constant true
      %select_n3A_84 = arith.select %select_n3A_83, %sub3A_82, %select_n3A_79 : i32
      %eq3A_85 = arith.constant -1 : i32
      %eq3A_86 = arith.cmpi eq, %select_n3A_84, %eq3A_85 : i32
      %select_n3A_87 = arith.constant 39 : i32
      %select_n3A_88 = arith.select %eq3A_86, %select_n3A_87, %select_n3A_84 : i32
      %add3A_89 = arith.addi %select_n3A_88, %mul3A_10 : i32
      %add3A_90 = arith.constant 1 : i32
      %add3A_91 = arith.addi %select_n3A_79, %add3A_90 : i32
      %select_n3A_92 = arith.constant true
      %select_n3A_93 = arith.select %select_n3A_92, %add3A_91, %select_n3A_79 : i32
      %eq3A_94 = arith.constant 40 : i32
      %eq3A_95 = arith.cmpi eq, %select_n3A_93, %eq3A_94 : i32
      %select_n3A_96 = arith.constant 0 : i32
      %select_n3A_97 = arith.select %eq3A_95, %select_n3A_96, %select_n3A_93 : i32
      %add3A_98 = arith.addi %select_n3A_97, %mul3A_10 : i32
      %add3A_99 = arith.constant 1 : i32
      %add3A_100 = arith.addi %select_n3A_97, %add3A_99 : i32
      %select_n3A_101 = arith.constant true
      %select_n3A_102 = arith.select %select_n3A_101, %add3A_100, %select_n3A_97 : i32
      %eq3A_103 = arith.constant 40 : i32
      %eq3A_104 = arith.cmpi eq, %select_n3A_102, %eq3A_103 : i32
      %select_n3A_105 = arith.constant 0 : i32
      %select_n3A_106 = arith.select %eq3A_104, %select_n3A_105, %select_n3A_102 : i32
      %add3A_107 = arith.addi %select_n3A_106, %mul3A_10 : i32
      "tpu.trace_start"() <{level = 10 : i32, message = "ep_finalize"}> : () -> ()
      %rem3A_108 = arith.constant 2 : i32
      %rem3A_109 = arith.remui %scan3A_71#3, %rem3A_108 : i32
      %mul3A_110 = arith.constant 128 : i32
      %mul3A_111 = arith.muli %mul3A_110, %add3A_80 : i32
      %dma_wait3A = arith.constant 0 : i32
      %dma_wait3A_112 = arith.constant 0 : i32
      %dma_wait3A_113 = tpu.memref_slice %run_scoped3A_12[%rem3A_109, %dma_wait3A, %dma_wait3A_112] : memref<2x128x128xf32, #tpu.memory_space<vmem>> -> memref<1x128x128xf32, #tpu.memory_space<vmem>>
      %dma_wait3A_114 = tpu.memref_squeeze %dma_wait3A_113 : memref<1x128x128xf32, #tpu.memory_space<vmem>> -> memref<128x128xf32, #tpu.memory_space<vmem>>
      %dma_wait3A_115 = arith.constant 0 : i32
      %dma_wait3A_116 = tpu.memref_slice %arg4[%mul3A_111, %dma_wait3A_115] : memref<163840x128xf32, #tpu.memory_space<hbm>> -> memref<128x128xf32, #tpu.memory_space<hbm>>
      %dma_wait3A_117 = tpu.memref_slice %run_scoped3A_13[%rem3A_109] : memref<2x!tpu.dma_semaphore, #tpu.memory_space<semaphore_mem>> -> memref<1x!tpu.dma_semaphore, #tpu.memory_space<semaphore_mem>>
      %dma_wait3A_118 = tpu.memref_squeeze %dma_wait3A_117 : memref<1x!tpu.dma_semaphore, #tpu.memory_space<semaphore_mem>> -> memref<!tpu.dma_semaphore, #tpu.memory_space<semaphore_mem>>
      %dma_wait3A_119 = arith.constant 0 : i32
      %dma_wait3A_120 = tpu.memref_slice %arg4[%mul3A_111, %dma_wait3A_119] : memref<163840x128xf32, #tpu.memory_space<hbm>> -> memref<128x128xf32, #tpu.memory_space<hbm>>
      %dma_wait3A_121 = arith.constant 0 : i32
      %dma_wait3A_122 = arith.constant 0 : i32
      %dma_wait3A_123 = tpu.memref_slice %run_scoped3A_12[%rem3A_109, %dma_wait3A_121, %dma_wait3A_122] : memref<2x128x128xf32, #tpu.memory_space<vmem>> -> memref<1x128x128xf32, #tpu.memory_space<vmem>>
      %dma_wait3A_124 = tpu.memref_squeeze %dma_wait3A_123 : memref<1x128x128xf32, #tpu.memory_space<vmem>> -> memref<128x128xf32, #tpu.memory_space<vmem>>
      tpu.wait_dma2 semaphore(%dma_wait3A_118 : memref<!tpu.dma_semaphore, #tpu.memory_space<semaphore_mem>>) src(%dma_wait3A_124 : memref<128x128xf32, #tpu.memory_space<vmem>>) dst(%dma_wait3A_120 : memref<128x128xf32, #tpu.memory_space<hbm>>)
      "tpu.trace_stop"() : () -> ()
      tpu.yield
    }) : () -> ()
    return
  }
}

#map = affine_map<(d0, d1) -> (0, 0)>
module attributes {stable_mosaic.version = 14 : i64} {
  func.func @_scatter_kernel(%arg0: i32, %arg1: i32, %arg2: memref<163840x128xf32, #tpu.memory_space<hbm>>, %arg3: memref<1x163840xi32, #tpu.memory_space<hbm>>, %arg4: memref<640x128xf32, #tpu.memory_space<hbm>>, %arg5: memref<20480x128xf32, #tpu.memory_space<hbm>>, %arg6: memref<10240x128xf32, #tpu.memory_space<vmem_shared>>) attributes {dimension_semantics = [#tpu.dimension_semantics<core_parallel>, #tpu.dimension_semantics<subcore_parallel>], iteration_bounds = array<i64: 2, 16>, scalar_prefetch = 0 : i64, scratch_operands = 1 : i64, tpu.core_type = #tpu.core_type<sc_vector_subcore>, window_params = [{transform_indices = #map}, {transform_indices = #map}, {transform_indices = #map}, {transform_indices = #map}]} {
    %mul3A = arith.constant 640 : i32
    %mul3A_0 = arith.muli %arg1, %mul3A : i32
    "tpu.region"() ({
      %run_scoped3A = tpu.sem_alloc : memref<!tpu.dma_semaphore, #tpu.memory_space<semaphore_mem>>
      %dma_start3A = arith.constant 0 : i32
      %dma_start3A_17 = tpu.memref_slice %arg6[%mul3A_0, %dma_start3A] : memref<10240x128xf32, #tpu.memory_space<vmem_shared>> -> memref<640x128xf32, #tpu.memory_space<vmem_shared>>
      tpu.enqueue_dma source(%arg4 : memref<640x128xf32, #tpu.memory_space<hbm>>) target(%dma_start3A_17 : memref<640x128xf32, #tpu.memory_space<vmem_shared>>) target_semaphore(%run_scoped3A : memref<!tpu.dma_semaphore, #tpu.memory_space<semaphore_mem>>)
      %dma_wait3A = arith.constant 0 : i32
      %dma_wait3A_18 = tpu.memref_slice %arg6[%mul3A_0, %dma_wait3A] : memref<10240x128xf32, #tpu.memory_space<vmem_shared>> -> memref<640x128xf32, #tpu.memory_space<vmem_shared>>
      tpu.wait_dma2 semaphore(%run_scoped3A : memref<!tpu.dma_semaphore, #tpu.memory_space<semaphore_mem>>) src(%arg4 : memref<640x128xf32, #tpu.memory_space<hbm>>) dst(%dma_wait3A_18 : memref<640x128xf32, #tpu.memory_space<vmem_shared>>)
      tpu.yield
    }) : () -> ()
    %barrier3A = arith.constant 0 : index
    tpu.barrier barrier_id(%barrier3A)
    %mul3A_1 = arith.constant 1 : i32
    %mul3A_2 = arith.muli %arg1, %mul3A_1 : i32
    %add3A = arith.constant 0 : i32
    %add3A_3 = arith.addi %add3A, %mul3A_2 : i32
    %mul3A_4 = arith.constant 16 : i32
    %mul3A_5 = arith.muli %arg0, %mul3A_4 : i32
    %add3A_6 = arith.addi %add3A_3, %mul3A_5 : i32
    %mul3A_7 = arith.constant 40 : i32
    %mul3A_8 = arith.muli %add3A_6, %mul3A_7 : i32
    "tpu.region"() ({
      %run_scoped3A = memref.alloca() : memref<2x128x128xf32, #tpu.memory_space<vmem>>
      %run_scoped3A_17 = tpu.sem_alloc : memref<2x!tpu.dma_semaphore, #tpu.memory_space<semaphore_mem>>
      %run_scoped3A_18 = memref.alloca() : memref<2x1x128xi32, #tpu.memory_space<vmem>>
      %run_scoped3A_19 = tpu.sem_alloc : memref<2x!tpu.dma_semaphore, #tpu.memory_space<semaphore_mem>>
      %add3A_20 = arith.constant 0 : i32
      %add3A_21 = arith.addi %add3A_20, %mul3A_8 : i32
      %select_n3A = arith.constant true
      %select_n3A_22 = arith.constant 0 : i32
      %select_n3A_23 = arith.constant -1 : i32
      %select_n3A_24 = arith.select %select_n3A, %select_n3A_23, %select_n3A_22 : i32
      %eq3A = arith.constant -1 : i32
      %eq3A_25 = arith.cmpi eq, %select_n3A_24, %eq3A : i32
      %select_n3A_26 = arith.constant 39 : i32
      %select_n3A_27 = arith.select %eq3A_25, %select_n3A_26, %select_n3A_24 : i32
      %add3A_28 = arith.addi %select_n3A_27, %mul3A_8 : i32
      %select_n3A_29 = arith.constant true
      %select_n3A_30 = arith.constant 0 : i32
      %select_n3A_31 = arith.constant 1 : i32
      %select_n3A_32 = arith.select %select_n3A_29, %select_n3A_31, %select_n3A_30 : i32
      %eq3A_33 = arith.constant 40 : i32
      %eq3A_34 = arith.cmpi eq, %select_n3A_32, %eq3A_33 : i32
      %select_n3A_35 = arith.constant 0 : i32
      %select_n3A_36 = arith.select %eq3A_34, %select_n3A_35, %select_n3A_32 : i32
      %add3A_37 = arith.addi %select_n3A_36, %mul3A_8 : i32
      %add3A_38 = arith.constant 1 : i32
      %add3A_39 = arith.addi %select_n3A_36, %add3A_38 : i32
      %select_n3A_40 = arith.constant true
      %select_n3A_41 = arith.select %select_n3A_40, %add3A_39, %select_n3A_36 : i32
      %eq3A_42 = arith.constant 40 : i32
      %eq3A_43 = arith.cmpi eq, %select_n3A_41, %eq3A_42 : i32
      %select_n3A_44 = arith.constant 0 : i32
      %select_n3A_45 = arith.select %eq3A_43, %select_n3A_44, %select_n3A_41 : i32
      %add3A_46 = arith.addi %select_n3A_45, %mul3A_8 : i32
      "tpu.trace_start"() <{level = 10 : i32, message = "ep_initialize_0"}> : () -> ()
      %rem3A = arith.constant 0 : i32
      %rem3A_47 = arith.constant 2 : i32
      %rem3A_48 = arith.remui %rem3A, %rem3A_47 : i32
      %mul3A_49 = arith.constant 128 : i32
      %mul3A_50 = arith.muli %mul3A_49, %add3A_21 : i32
      %dma_start3A = arith.constant 0 : i32
      %dma_start3A_51 = arith.constant 0 : i32
      %dma_start3A_52 = tpu.memref_slice %run_scoped3A[%rem3A_48, %dma_start3A, %dma_start3A_51] : memref<2x128x128xf32, #tpu.memory_space<vmem>> -> memref<1x128x128xf32, #tpu.memory_space<vmem>>
      %dma_start3A_53 = tpu.memref_squeeze %dma_start3A_52 : memref<1x128x128xf32, #tpu.memory_space<vmem>> -> memref<128x128xf32, #tpu.memory_space<vmem>>
      %dma_start3A_54 = arith.constant 0 : i32
      %dma_start3A_55 = tpu.memref_slice %arg2[%mul3A_50, %dma_start3A_54] : memref<163840x128xf32, #tpu.memory_space<hbm>> -> memref<128x128xf32, #tpu.memory_space<hbm>>
      %dma_start3A_56 = tpu.memref_slice %run_scoped3A_17[%rem3A_48] : memref<2x!tpu.dma_semaphore, #tpu.memory_space<semaphore_mem>> -> memref<1x!tpu.dma_semaphore, #tpu.memory_space<semaphore_mem>>
      %dma_start3A_57 = tpu.memref_squeeze %dma_start3A_56 : memref<1x!tpu.dma_semaphore, #tpu.memory_space<semaphore_mem>> -> memref<!tpu.dma_semaphore, #tpu.memory_space<semaphore_mem>>
      %dma_start3A_58 = arith.constant 0 : i32
      %dma_start3A_59 = arith.constant 0 : i32
      %dma_start3A_60 = tpu.memref_slice %run_scoped3A[%rem3A_48, %dma_start3A_58, %dma_start3A_59] : memref<2x128x128xf32, #tpu.memory_space<vmem>> -> memref<1x128x128xf32, #tpu.memory_space<vmem>>
      %dma_start3A_61 = tpu.memref_squeeze %dma_start3A_60 : memref<1x128x128xf32, #tpu.memory_space<vmem>> -> memref<128x128xf32, #tpu.memory_space<vmem>>
      %dma_start3A_62 = arith.constant 0 : i32
      %dma_start3A_63 = tpu.memref_slice %arg2[%mul3A_50, %dma_start3A_62] : memref<163840x128xf32, #tpu.memory_space<hbm>> -> memref<128x128xf32, #tpu.memory_space<hbm>>
      tpu.enqueue_dma source(%dma_start3A_63 : memref<128x128xf32, #tpu.memory_space<hbm>>) target(%dma_start3A_61 : memref<128x128xf32, #tpu.memory_space<vmem>>) target_semaphore(%dma_start3A_57 : memref<!tpu.dma_semaphore, #tpu.memory_space<semaphore_mem>>)
      %add3A_64 = arith.constant 0 : i32
      %add3A_65 = arith.constant 1 : i32
      %add3A_66 = arith.addi %add3A_64, %add3A_65 : i32
      %select_n3A_67 = arith.constant true
      %select_n3A_68 = arith.constant 0 : i32
      %select_n3A_69 = arith.select %select_n3A_67, %add3A_66, %select_n3A_68 : i32
      %rem3A_70 = arith.constant 0 : i32
      %rem3A_71 = arith.constant 2 : i32
      %rem3A_72 = arith.remui %rem3A_70, %rem3A_71 : i32
      %add3A_73 = arith.constant 0 : i32
      %add3A_74 = arith.addi %add3A_73, %add3A_21 : i32
      %mul3A_75 = arith.constant 128 : i32
      %mul3A_76 = arith.muli %mul3A_75, %add3A_74 : i32
      %dma_start3A_77 = arith.constant 0 : i32
      %dma_start3A_78 = arith.constant 0 : i32
      %dma_start3A_79 = tpu.memref_slice %run_scoped3A_18[%rem3A_72, %dma_start3A_77, %dma_start3A_78] : memref<2x1x128xi32, #tpu.memory_space<vmem>> -> memref<1x1x128xi32, #tpu.memory_space<vmem>>
      %dma_start3A_80 = tpu.memref_squeeze %dma_start3A_79 : memref<1x1x128xi32, #tpu.memory_space<vmem>> -> memref<1x128xi32, #tpu.memory_space<vmem>>
      %dma_start3A_81 = arith.constant 0 : i32
      %dma_start3A_82 = tpu.memref_slice %arg3[%dma_start3A_81, %mul3A_76] : memref<1x163840xi32, #tpu.memory_space<hbm>> -> memref<1x128xi32, #tpu.memory_space<hbm>>
      %dma_start3A_83 = tpu.memref_slice %run_scoped3A_19[%rem3A_72] : memref<2x!tpu.dma_semaphore, #tpu.memory_space<semaphore_mem>> -> memref<1x!tpu.dma_semaphore, #tpu.memory_space<semaphore_mem>>
      %dma_start3A_84 = tpu.memref_squeeze %dma_start3A_83 : memref<1x!tpu.dma_semaphore, #tpu.memory_space<semaphore_mem>> -> memref<!tpu.dma_semaphore, #tpu.memory_space<semaphore_mem>>
      %dma_start3A_85 = arith.constant 0 : i32
      %dma_start3A_86 = arith.constant 0 : i32
      %dma_start3A_87 = tpu.memref_slice %run_scoped3A_18[%rem3A_72, %dma_start3A_85, %dma_start3A_86] : memref<2x1x128xi32, #tpu.memory_space<vmem>> -> memref<1x1x128xi32, #tpu.memory_space<vmem>>
      %dma_start3A_88 = tpu.memref_squeeze %dma_start3A_87 : memref<1x1x128xi32, #tpu.memory_space<vmem>> -> memref<1x128xi32, #tpu.memory_space<vmem>>
      %dma_start3A_89 = arith.constant 0 : i32
      %dma_start3A_90 = tpu.memref_slice %arg3[%dma_start3A_89, %mul3A_76] : memref<1x163840xi32, #tpu.memory_space<hbm>> -> memref<1x128xi32, #tpu.memory_space<hbm>>
      tpu.enqueue_dma source(%dma_start3A_90 : memref<1x128xi32, #tpu.memory_space<hbm>>) target(%dma_start3A_88 : memref<1x128xi32, #tpu.memory_space<vmem>>) target_semaphore(%dma_start3A_84 : memref<!tpu.dma_semaphore, #tpu.memory_space<semaphore_mem>>)
      %add3A_91 = arith.constant 0 : i32
      %add3A_92 = arith.constant 1 : i32
      %add3A_93 = arith.addi %add3A_91, %add3A_92 : i32
      %select_n3A_94 = arith.constant true
      %select_n3A_95 = arith.constant 0 : i32
      %select_n3A_96 = arith.select %select_n3A_94, %add3A_93, %select_n3A_95 : i32
      "tpu.trace_stop"() : () -> ()
      %scan3A = arith.constant 0 : i32
      %scan3A_97 = arith.constant 0 : i32
      %scan3A_98 = arith.constant 0 : i32
      %scan3A_99 = arith.constant 0 : i32
      %scan3A_100 = arith.constant 40 : i32
      %scan3A_101 = arith.addi %scan3A_99, %scan3A_100 : i32
      %scan3A_102 = arith.constant 1 : i32
      %scan3A_103:5 = scf.for %scan3A_140 = %scan3A_99 to %scan3A_101 step %scan3A_102 iter_args(%scan3A_141 = %select_n3A_69, %scan3A_142 = %scan3A, %scan3A_143 = %select_n3A_96, %scan3A_144 = %scan3A_97, %scan3A_145 = %scan3A_98) -> (i32, i32, i32, i32, i32)  : i32 {
        %eq3A_146 = arith.constant 0 : i32
        %eq3A_147 = arith.cmpi eq, %scan3A_140, %eq3A_146 : i32
        %eq3A_148 = arith.constant 39 : i32
        %eq3A_149 = arith.cmpi eq, %scan3A_140, %eq3A_148 : i32
        %add3A_150 = arith.addi %scan3A_145, %mul3A_8 : i32
        %sub3A_151 = arith.constant 1 : i32
        %sub3A_152 = arith.subi %scan3A_145, %sub3A_151 : i32
        %select_n3A_153 = arith.constant true
        %select_n3A_154 = arith.select %select_n3A_153, %sub3A_152, %scan3A_145 : i32
        %eq3A_155 = arith.constant -1 : i32
        %eq3A_156 = arith.cmpi eq, %select_n3A_154, %eq3A_155 : i32
        %select_n3A_157 = arith.constant 39 : i32
        %select_n3A_158 = arith.select %eq3A_156, %select_n3A_157, %select_n3A_154 : i32
        %add3A_159 = arith.addi %select_n3A_158, %mul3A_8 : i32
        %add3A_160 = arith.constant 1 : i32
        %add3A_161 = arith.addi %scan3A_145, %add3A_160 : i32
        %select_n3A_162 = arith.constant true
        %select_n3A_163 = arith.select %select_n3A_162, %add3A_161, %scan3A_145 : i32
        %eq3A_164 = arith.constant 40 : i32
        %eq3A_165 = arith.cmpi eq, %select_n3A_163, %eq3A_164 : i32
        %select_n3A_166 = arith.constant 0 : i32
        %select_n3A_167 = arith.select %eq3A_165, %select_n3A_166, %select_n3A_163 : i32
        %add3A_168 = arith.addi %select_n3A_167, %mul3A_8 : i32
        %add3A_169 = arith.constant 1 : i32
        %add3A_170 = arith.addi %select_n3A_167, %add3A_169 : i32
        %select_n3A_171 = arith.constant true
        %select_n3A_172 = arith.select %select_n3A_171, %add3A_170, %select_n3A_167 : i32
        %eq3A_173 = arith.constant 40 : i32
        %eq3A_174 = arith.cmpi eq, %select_n3A_172, %eq3A_173 : i32
        %select_n3A_175 = arith.constant 0 : i32
        %select_n3A_176 = arith.select %eq3A_174, %select_n3A_175, %select_n3A_172 : i32
        %add3A_177 = arith.addi %select_n3A_176, %mul3A_8 : i32
        %ne3A = arith.cmpi ne, %add3A_150, %add3A_168 : i32
        %or3A = arith.constant false
        %or3A_178 = arith.ori %or3A, %ne3A : i1
        %or3A_179 = arith.constant false
        %or3A_180 = arith.ori %or3A_178, %or3A_179 : i1
        %ge3A = arith.constant 39 : i32
        %ge3A_181 = arith.cmpi sge, %scan3A_140, %ge3A : i32
        %not3A = arith.constant true
        %not3A_182 = arith.xori %ge3A_181, %not3A : i1
        %and3A = arith.andi %or3A_180, %not3A_182 : i1
        %convert_element_type3A = arith.extui %and3A : i1 to i32
        %cond3A = arith.constant 0 : i32
        %cond3A_183 = arith.cmpi ne, %convert_element_type3A, %cond3A : i32
        scf.if %cond3A_183 {
          "tpu.trace_start"() <{level = 10 : i32, message = "ep_copy_in"}> : () -> ()
          %rem3A_314 = arith.constant 2 : i32
          %rem3A_315 = arith.remui %scan3A_141, %rem3A_314 : i32
          %mul3A_316 = arith.constant 128 : i32
          %mul3A_317 = arith.muli %mul3A_316, %add3A_168 : i32
          %dma_start3A_318 = arith.constant 0 : i32
          %dma_start3A_319 = arith.constant 0 : i32
          %dma_start3A_320 = tpu.memref_slice %run_scoped3A[%rem3A_315, %dma_start3A_318, %dma_start3A_319] : memref<2x128x128xf32, #tpu.memory_space<vmem>> -> memref<1x128x128xf32, #tpu.memory_space<vmem>>
          %dma_start3A_321 = tpu.memref_squeeze %dma_start3A_320 : memref<1x128x128xf32, #tpu.memory_space<vmem>> -> memref<128x128xf32, #tpu.memory_space<vmem>>
          %dma_start3A_322 = arith.constant 0 : i32
          %dma_start3A_323 = tpu.memref_slice %arg2[%mul3A_317, %dma_start3A_322] : memref<163840x128xf32, #tpu.memory_space<hbm>> -> memref<128x128xf32, #tpu.memory_space<hbm>>
          %dma_start3A_324 = tpu.memref_slice %run_scoped3A_17[%rem3A_315] : memref<2x!tpu.dma_semaphore, #tpu.memory_space<semaphore_mem>> -> memref<1x!tpu.dma_semaphore, #tpu.memory_space<semaphore_mem>>
          %dma_start3A_325 = tpu.memref_squeeze %dma_start3A_324 : memref<1x!tpu.dma_semaphore, #tpu.memory_space<semaphore_mem>> -> memref<!tpu.dma_semaphore, #tpu.memory_space<semaphore_mem>>
          %dma_start3A_326 = arith.constant 0 : i32
          %dma_start3A_327 = arith.constant 0 : i32
          %dma_start3A_328 = tpu.memref_slice %run_scoped3A[%rem3A_315, %dma_start3A_326, %dma_start3A_327] : memref<2x128x128xf32, #tpu.memory_space<vmem>> -> memref<1x128x128xf32, #tpu.memory_space<vmem>>
          %dma_start3A_329 = tpu.memref_squeeze %dma_start3A_328 : memref<1x128x128xf32, #tpu.memory_space<vmem>> -> memref<128x128xf32, #tpu.memory_space<vmem>>
          %dma_start3A_330 = arith.constant 0 : i32
          %dma_start3A_331 = tpu.memref_slice %arg2[%mul3A_317, %dma_start3A_330] : memref<163840x128xf32, #tpu.memory_space<hbm>> -> memref<128x128xf32, #tpu.memory_space<hbm>>
          tpu.enqueue_dma source(%dma_start3A_331 : memref<128x128xf32, #tpu.memory_space<hbm>>) target(%dma_start3A_329 : memref<128x128xf32, #tpu.memory_space<vmem>>) target_semaphore(%dma_start3A_325 : memref<!tpu.dma_semaphore, #tpu.memory_space<semaphore_mem>>)
          "tpu.trace_stop"() : () -> ()
        } else {
        }
        %and3A_184 = arith.constant true
        %and3A_185 = arith.andi %and3A, %and3A_184 : i1
        %add3A_186 = arith.constant 1 : i32
        %add3A_187 = arith.addi %scan3A_141, %add3A_186 : i32
        %select_n3A_188 = arith.select %and3A_185, %add3A_187, %scan3A_141 : i32
        %add3A_189 = arith.constant 0 : i32
        %add3A_190 = arith.addi %add3A_189, %add3A_150 : i32
        %add3A_191 = arith.constant 0 : i32
        %add3A_192 = arith.addi %add3A_191, %add3A_168 : i32
        %ne3A_193 = arith.cmpi ne, %add3A_190, %add3A_192 : i32
        %or3A_194 = arith.constant false
        %or3A_195 = arith.ori %or3A_194, %ne3A_193 : i1
        %ge3A_196 = arith.constant 39 : i32
        %ge3A_197 = arith.cmpi sge, %scan3A_140, %ge3A_196 : i32
        %not3A_198 = arith.constant true
        %not3A_199 = arith.xori %ge3A_197, %not3A_198 : i1
        %and3A_200 = arith.andi %or3A_195, %not3A_199 : i1
        %convert_element_type3A_201 = arith.extui %and3A_200 : i1 to i32
        %cond3A_202 = arith.constant 0 : i32
        %cond3A_203 = arith.cmpi ne, %convert_element_type3A_201, %cond3A_202 : i32
        scf.if %cond3A_203 {
          "tpu.trace_start"() <{level = 10 : i32, message = "ep_copy_in"}> : () -> ()
          %rem3A_314 = arith.constant 2 : i32
          %rem3A_315 = arith.remui %scan3A_143, %rem3A_314 : i32
          %add3A_316 = arith.constant 0 : i32
          %add3A_317 = arith.addi %add3A_316, %add3A_168 : i32
          %mul3A_318 = arith.constant 128 : i32
          %mul3A_319 = arith.muli %mul3A_318, %add3A_317 : i32
          %dma_start3A_320 = arith.constant 0 : i32
          %dma_start3A_321 = arith.constant 0 : i32
          %dma_start3A_322 = tpu.memref_slice %run_scoped3A_18[%rem3A_315, %dma_start3A_320, %dma_start3A_321] : memref<2x1x128xi32, #tpu.memory_space<vmem>> -> memref<1x1x128xi32, #tpu.memory_space<vmem>>
          %dma_start3A_323 = tpu.memref_squeeze %dma_start3A_322 : memref<1x1x128xi32, #tpu.memory_space<vmem>> -> memref<1x128xi32, #tpu.memory_space<vmem>>
          %dma_start3A_324 = arith.constant 0 : i32
          %dma_start3A_325 = tpu.memref_slice %arg3[%dma_start3A_324, %mul3A_319] : memref<1x163840xi32, #tpu.memory_space<hbm>> -> memref<1x128xi32, #tpu.memory_space<hbm>>
          %dma_start3A_326 = tpu.memref_slice %run_scoped3A_19[%rem3A_315] : memref<2x!tpu.dma_semaphore, #tpu.memory_space<semaphore_mem>> -> memref<1x!tpu.dma_semaphore, #tpu.memory_space<semaphore_mem>>
          %dma_start3A_327 = tpu.memref_squeeze %dma_start3A_326 : memref<1x!tpu.dma_semaphore, #tpu.memory_space<semaphore_mem>> -> memref<!tpu.dma_semaphore, #tpu.memory_space<semaphore_mem>>
          %dma_start3A_328 = arith.constant 0 : i32
          %dma_start3A_329 = arith.constant 0 : i32
          %dma_start3A_330 = tpu.memref_slice %run_scoped3A_18[%rem3A_315, %dma_start3A_328, %dma_start3A_329] : memref<2x1x128xi32, #tpu.memory_space<vmem>> -> memref<1x1x128xi32, #tpu.memory_space<vmem>>
          %dma_start3A_331 = tpu.memref_squeeze %dma_start3A_330 : memref<1x1x128xi32, #tpu.memory_space<vmem>> -> memref<1x128xi32, #tpu.memory_space<vmem>>
          %dma_start3A_332 = arith.constant 0 : i32
          %dma_start3A_333 = tpu.memref_slice %arg3[%dma_start3A_332, %mul3A_319] : memref<1x163840xi32, #tpu.memory_space<hbm>> -> memref<1x128xi32, #tpu.memory_space<hbm>>
          tpu.enqueue_dma source(%dma_start3A_333 : memref<1x128xi32, #tpu.memory_space<hbm>>) target(%dma_start3A_331 : memref<1x128xi32, #tpu.memory_space<vmem>>) target_semaphore(%dma_start3A_327 : memref<!tpu.dma_semaphore, #tpu.memory_space<semaphore_mem>>)
          "tpu.trace_stop"() : () -> ()
        } else {
        }
        %and3A_204 = arith.constant true
        %and3A_205 = arith.andi %and3A_200, %and3A_204 : i1
        %add3A_206 = arith.constant 1 : i32
        %add3A_207 = arith.addi %scan3A_143, %add3A_206 : i32
        %select_n3A_208 = arith.select %and3A_205, %add3A_207, %scan3A_143 : i32
        %ne3A_209 = arith.cmpi ne, %add3A_150, %add3A_159 : i32
        %or3A_210 = arith.constant false
        %or3A_211 = arith.ori %or3A_210, %ne3A_209 : i1
        %or3A_212 = arith.constant false
        %or3A_213 = arith.ori %or3A_211, %or3A_212 : i1
        %or3A_214 = arith.ori %or3A_213, %eq3A_147 : i1
        %convert_element_type3A_215 = arith.extui %or3A_214 : i1 to i32
        %cond3A_216 = arith.constant 0 : i32
        %cond3A_217 = arith.cmpi ne, %convert_element_type3A_215, %cond3A_216 : i32
        scf.if %cond3A_217 {
          "tpu.trace_start"() <{level = 10 : i32, message = "ep_wait_in"}> : () -> ()
          %mul3A_314 = arith.constant 128 : i32
          %mul3A_315 = arith.muli %mul3A_314, %add3A_150 : i32
          %rem3A_316 = arith.constant 2 : i32
          %rem3A_317 = arith.remui %scan3A_142, %rem3A_316 : i32
          %dma_wait3A = arith.constant 0 : i32
          %dma_wait3A_318 = arith.constant 0 : i32
          %dma_wait3A_319 = tpu.memref_slice %run_scoped3A[%rem3A_317, %dma_wait3A, %dma_wait3A_318] : memref<2x128x128xf32, #tpu.memory_space<vmem>> -> memref<1x128x128xf32, #tpu.memory_space<vmem>>
          %dma_wait3A_320 = tpu.memref_squeeze %dma_wait3A_319 : memref<1x128x128xf32, #tpu.memory_space<vmem>> -> memref<128x128xf32, #tpu.memory_space<vmem>>
          %dma_wait3A_321 = arith.constant 0 : i32
          %dma_wait3A_322 = tpu.memref_slice %arg2[%mul3A_315, %dma_wait3A_321] : memref<163840x128xf32, #tpu.memory_space<hbm>> -> memref<128x128xf32, #tpu.memory_space<hbm>>
          %dma_wait3A_323 = tpu.memref_slice %run_scoped3A_17[%rem3A_317] : memref<2x!tpu.dma_semaphore, #tpu.memory_space<semaphore_mem>> -> memref<1x!tpu.dma_semaphore, #tpu.memory_space<semaphore_mem>>
          %dma_wait3A_324 = tpu.memref_squeeze %dma_wait3A_323 : memref<1x!tpu.dma_semaphore, #tpu.memory_space<semaphore_mem>> -> memref<!tpu.dma_semaphore, #tpu.memory_space<semaphore_mem>>
          %dma_wait3A_325 = arith.constant 0 : i32
          %dma_wait3A_326 = arith.constant 0 : i32
          %dma_wait3A_327 = tpu.memref_slice %run_scoped3A[%rem3A_317, %dma_wait3A_325, %dma_wait3A_326] : memref<2x128x128xf32, #tpu.memory_space<vmem>> -> memref<1x128x128xf32, #tpu.memory_space<vmem>>
          %dma_wait3A_328 = tpu.memref_squeeze %dma_wait3A_327 : memref<1x128x128xf32, #tpu.memory_space<vmem>> -> memref<128x128xf32, #tpu.memory_space<vmem>>
          %dma_wait3A_329 = arith.constant 0 : i32
          %dma_wait3A_330 = tpu.memref_slice %arg2[%mul3A_315, %dma_wait3A_329] : memref<163840x128xf32, #tpu.memory_space<hbm>> -> memref<128x128xf32, #tpu.memory_space<hbm>>
          tpu.wait_dma2 semaphore(%dma_wait3A_324 : memref<!tpu.dma_semaphore, #tpu.memory_space<semaphore_mem>>) src(%dma_wait3A_330 : memref<128x128xf32, #tpu.memory_space<hbm>>) dst(%dma_wait3A_328 : memref<128x128xf32, #tpu.memory_space<vmem>>)
          "tpu.trace_stop"() : () -> ()
        } else {
        }
        %add3A_218 = arith.constant 0 : i32
        %add3A_219 = arith.addi %add3A_218, %add3A_150 : i32
        %add3A_220 = arith.constant 0 : i32
        %add3A_221 = arith.addi %add3A_220, %add3A_159 : i32
        %ne3A_222 = arith.cmpi ne, %add3A_219, %add3A_221 : i32
        %or3A_223 = arith.constant false
        %or3A_224 = arith.ori %or3A_223, %ne3A_222 : i1
        %or3A_225 = arith.ori %or3A_224, %eq3A_147 : i1
        %convert_element_type3A_226 = arith.extui %or3A_225 : i1 to i32
        %cond3A_227 = arith.constant 0 : i32
        %cond3A_228 = arith.cmpi ne, %convert_element_type3A_226, %cond3A_227 : i32
        scf.if %cond3A_228 {
          "tpu.trace_start"() <{level = 10 : i32, message = "ep_wait_in"}> : () -> ()
          %add3A_314 = arith.constant 0 : i32
          %add3A_315 = arith.addi %add3A_314, %add3A_150 : i32
          %mul3A_316 = arith.constant 128 : i32
          %mul3A_317 = arith.muli %mul3A_316, %add3A_315 : i32
          %rem3A_318 = arith.constant 2 : i32
          %rem3A_319 = arith.remui %scan3A_144, %rem3A_318 : i32
          %dma_wait3A = arith.constant 0 : i32
          %dma_wait3A_320 = arith.constant 0 : i32
          %dma_wait3A_321 = tpu.memref_slice %run_scoped3A_18[%rem3A_319, %dma_wait3A, %dma_wait3A_320] : memref<2x1x128xi32, #tpu.memory_space<vmem>> -> memref<1x1x128xi32, #tpu.memory_space<vmem>>
          %dma_wait3A_322 = tpu.memref_squeeze %dma_wait3A_321 : memref<1x1x128xi32, #tpu.memory_space<vmem>> -> memref<1x128xi32, #tpu.memory_space<vmem>>
          %dma_wait3A_323 = arith.constant 0 : i32
          %dma_wait3A_324 = tpu.memref_slice %arg3[%dma_wait3A_323, %mul3A_317] : memref<1x163840xi32, #tpu.memory_space<hbm>> -> memref<1x128xi32, #tpu.memory_space<hbm>>
          %dma_wait3A_325 = tpu.memref_slice %run_scoped3A_19[%rem3A_319] : memref<2x!tpu.dma_semaphore, #tpu.memory_space<semaphore_mem>> -> memref<1x!tpu.dma_semaphore, #tpu.memory_space<semaphore_mem>>
          %dma_wait3A_326 = tpu.memref_squeeze %dma_wait3A_325 : memref<1x!tpu.dma_semaphore, #tpu.memory_space<semaphore_mem>> -> memref<!tpu.dma_semaphore, #tpu.memory_space<semaphore_mem>>
          %dma_wait3A_327 = arith.constant 0 : i32
          %dma_wait3A_328 = arith.constant 0 : i32
          %dma_wait3A_329 = tpu.memref_slice %run_scoped3A_18[%rem3A_319, %dma_wait3A_327, %dma_wait3A_328] : memref<2x1x128xi32, #tpu.memory_space<vmem>> -> memref<1x1x128xi32, #tpu.memory_space<vmem>>
          %dma_wait3A_330 = tpu.memref_squeeze %dma_wait3A_329 : memref<1x1x128xi32, #tpu.memory_space<vmem>> -> memref<1x128xi32, #tpu.memory_space<vmem>>
          %dma_wait3A_331 = arith.constant 0 : i32
          %dma_wait3A_332 = tpu.memref_slice %arg3[%dma_wait3A_331, %mul3A_317] : memref<1x163840xi32, #tpu.memory_space<hbm>> -> memref<1x128xi32, #tpu.memory_space<hbm>>
          tpu.wait_dma2 semaphore(%dma_wait3A_326 : memref<!tpu.dma_semaphore, #tpu.memory_space<semaphore_mem>>) src(%dma_wait3A_332 : memref<1x128xi32, #tpu.memory_space<hbm>>) dst(%dma_wait3A_330 : memref<1x128xi32, #tpu.memory_space<vmem>>)
          "tpu.trace_stop"() : () -> ()
        } else {
        }
        %rem3A_229 = arith.constant 2 : i32
        %rem3A_230 = arith.remui %scan3A_142, %rem3A_229 : i32
        %rem3A_231 = arith.constant 2 : i32
        %rem3A_232 = arith.remui %scan3A_144, %rem3A_231 : i32
        %run_scoped3A_233 = arith.constant 0 : i32
        "tpu.trace_start"() <{level = 10 : i32, message = "ep_run_kernel"}> : () -> ()
        "tpu.region"() ({
          %run_scoped3A_314 = tpu.sem_alloc : memref<!tpu.dma_semaphore, #tpu.memory_space<semaphore_mem>>
          %dma_start3A_315 = arith.constant 0 : i32
          %dma_start3A_316 = arith.constant 0 : i32
          %dma_start3A_317 = tpu.memref_slice %run_scoped3A[%rem3A_230, %dma_start3A_315, %dma_start3A_316] : memref<2x128x128xf32, #tpu.memory_space<vmem>> -> memref<1x128x128xf32, #tpu.memory_space<vmem>>
          %dma_start3A_318 = tpu.memref_squeeze %dma_start3A_317 : memref<1x128x128xf32, #tpu.memory_space<vmem>> -> memref<128x128xf32, #tpu.memory_space<vmem>>
          %dma_start3A_319 = arith.constant 0 : i32
          %dma_start3A_320 = arith.constant 0 : i32
          %dma_start3A_321 = tpu.memref_slice %run_scoped3A_18[%rem3A_232, %dma_start3A_319, %dma_start3A_320] : memref<2x1x128xi32, #tpu.memory_space<vmem>> -> memref<1x1x128xi32, #tpu.memory_space<vmem>>
          %dma_start3A_322 = tpu.memref_squeeze %dma_start3A_321 : memref<1x1x128xi32, #tpu.memory_space<vmem>> -> memref<1x128xi32, #tpu.memory_space<vmem>>
          %dma_start3A_323 = arith.constant 0 : i32
          %dma_start3A_324 = tpu.memref_slice %dma_start3A_322[%run_scoped3A_233, %dma_start3A_323] : memref<1x128xi32, #tpu.memory_space<vmem>> -> memref<1x128xi32, #tpu.memory_space<vmem>>
          %dma_start3A_325 = tpu.memref_squeeze %dma_start3A_324 : memref<1x128xi32, #tpu.memory_space<vmem>> -> memref<128xi32, #tpu.memory_space<vmem>>
          %dma_start3A_326 = arith.constant 0 : i32
          %dma_start3A_327 = arith.constant 0 : i32
          %dma_start3A_328 = tpu.memref_slice %arg6[%dma_start3A_326, %dma_start3A_327] : memref<10240x128xf32, #tpu.memory_space<vmem_shared>> -> memref<10240x128xf32, #tpu.memory_space<vmem_shared>>
          tpu.enqueue_indirect_dma source(%dma_start3A_318 : memref<128x128xf32, #tpu.memory_space<vmem>>) target(%dma_start3A_328 : memref<10240x128xf32, #tpu.memory_space<vmem_shared>>) offsets(%dma_start3A_325 : memref<128xi32, #tpu.memory_space<vmem>>) semaphore(%run_scoped3A_314 : memref<!tpu.dma_semaphore, #tpu.memory_space<semaphore_mem>>) {add = true}
          %dma_wait3A = arith.constant 0 : i32
          %dma_wait3A_329 = arith.constant 0 : i32
          %dma_wait3A_330 = tpu.memref_slice %run_scoped3A[%rem3A_230, %dma_wait3A, %dma_wait3A_329] : memref<2x128x128xf32, #tpu.memory_space<vmem>> -> memref<1x128x128xf32, #tpu.memory_space<vmem>>
          %dma_wait3A_331 = tpu.memref_squeeze %dma_wait3A_330 : memref<1x128x128xf32, #tpu.memory_space<vmem>> -> memref<128x128xf32, #tpu.memory_space<vmem>>
          %dma_wait3A_332 = arith.constant 0 : i32
          %dma_wait3A_333 = arith.constant 0 : i32
          %dma_wait3A_334 = tpu.memref_slice %run_scoped3A_18[%rem3A_232, %dma_wait3A_332, %dma_wait3A_333] : memref<2x1x128xi32, #tpu.memory_space<vmem>> -> memref<1x1x128xi32, #tpu.memory_space<vmem>>
          %dma_wait3A_335 = tpu.memref_squeeze %dma_wait3A_334 : memref<1x1x128xi32, #tpu.memory_space<vmem>> -> memref<1x128xi32, #tpu.memory_space<vmem>>
          %dma_wait3A_336 = arith.constant 0 : i32
          %dma_wait3A_337 = tpu.memref_slice %dma_wait3A_335[%run_scoped3A_233, %dma_wait3A_336] : memref<1x128xi32, #tpu.memory_space<vmem>> -> memref<1x128xi32, #tpu.memory_space<vmem>>
          %dma_wait3A_338 = tpu.memref_squeeze %dma_wait3A_337 : memref<1x128xi32, #tpu.memory_space<vmem>> -> memref<128xi32, #tpu.memory_space<vmem>>
          %dma_wait3A_339 = arith.constant 0 : i32
          %dma_wait3A_340 = arith.constant 0 : i32
          %dma_wait3A_341 = tpu.memref_slice %arg6[%dma_wait3A_339, %dma_wait3A_340] : memref<10240x128xf32, #tpu.memory_space<vmem_shared>> -> memref<10240x128xf32, #tpu.memory_space<vmem_shared>>
          tpu.wait_indirect_dma semaphore(%run_scoped3A_314 : memref<!tpu.dma_semaphore, #tpu.memory_space<semaphore_mem>>) src(%dma_wait3A_331 : memref<128x128xf32, #tpu.memory_space<vmem>>) dst(%dma_wait3A_341 : memref<10240x128xf32, #tpu.memory_space<vmem_shared>>)
          tpu.yield
        }) : () -> ()
        "tpu.trace_stop"() : () -> ()
        %ne3A_234 = arith.cmpi ne, %add3A_150, %add3A_168 : i32
        %or3A_235 = arith.constant false
        %or3A_236 = arith.ori %or3A_235, %ne3A_234 : i1
        %or3A_237 = arith.constant false
        %or3A_238 = arith.ori %or3A_236, %or3A_237 : i1
        %or3A_239 = arith.ori %or3A_238, %eq3A_149 : i1
        %convert_element_type3A_240 = arith.extui %or3A_239 : i1 to i32
        %cond3A_241 = arith.constant 0 : i32
        %cond3A_242 = arith.cmpi ne, %convert_element_type3A_240, %cond3A_241 : i32
        scf.if %cond3A_242 {
        } else {
        }
        %and3A_243 = arith.constant false
        %and3A_244 = arith.andi %or3A_239, %and3A_243 : i1
        %add3A_245 = arith.constant 0 : i32
        %add3A_246 = arith.addi %add3A_245, %add3A_150 : i32
        %add3A_247 = arith.constant 0 : i32
        %add3A_248 = arith.addi %add3A_247, %add3A_168 : i32
        %ne3A_249 = arith.cmpi ne, %add3A_246, %add3A_248 : i32
        %or3A_250 = arith.constant false
        %or3A_251 = arith.ori %or3A_250, %ne3A_249 : i1
        %or3A_252 = arith.ori %or3A_251, %eq3A_149 : i1
        %convert_element_type3A_253 = arith.extui %or3A_252 : i1 to i32
        %cond3A_254 = arith.constant 0 : i32
        %cond3A_255 = arith.cmpi ne, %convert_element_type3A_253, %cond3A_254 : i32
        scf.if %cond3A_255 {
        } else {
        }
        %and3A_256 = arith.constant false
        %and3A_257 = arith.andi %or3A_252, %and3A_256 : i1
        %ne3A_258 = arith.cmpi ne, %add3A_150, %add3A_159 : i32
        %or3A_259 = arith.constant false
        %or3A_260 = arith.ori %or3A_259, %ne3A_258 : i1
        %or3A_261 = arith.constant false
        %or3A_262 = arith.ori %or3A_260, %or3A_261 : i1
        %not3A_263 = arith.constant true
        %not3A_264 = arith.xori %eq3A_147, %not3A_263 : i1
        %and3A_265 = arith.andi %or3A_262, %not3A_264 : i1
        %convert_element_type3A_266 = arith.extui %and3A_265 : i1 to i32
        %cond3A_267 = arith.constant 0 : i32
        %cond3A_268 = arith.cmpi ne, %convert_element_type3A_266, %cond3A_267 : i32
        scf.if %cond3A_268 {
        } else {
        }
        %and3A_269 = arith.constant false
        %and3A_270 = arith.andi %and3A_265, %and3A_269 : i1
        %add3A_271 = arith.constant 0 : i32
        %add3A_272 = arith.addi %add3A_271, %add3A_150 : i32
        %add3A_273 = arith.constant 0 : i32
        %add3A_274 = arith.addi %add3A_273, %add3A_159 : i32
        %ne3A_275 = arith.cmpi ne, %add3A_272, %add3A_274 : i32
        %or3A_276 = arith.constant false
        %or3A_277 = arith.ori %or3A_276, %ne3A_275 : i1
        %not3A_278 = arith.constant true
        %not3A_279 = arith.xori %eq3A_147, %not3A_278 : i1
        %and3A_280 = arith.andi %or3A_277, %not3A_279 : i1
        %convert_element_type3A_281 = arith.extui %and3A_280 : i1 to i32
        %cond3A_282 = arith.constant 0 : i32
        %cond3A_283 = arith.cmpi ne, %convert_element_type3A_281, %cond3A_282 : i32
        scf.if %cond3A_283 {
        } else {
        }
        %and3A_284 = arith.constant false
        %and3A_285 = arith.andi %and3A_280, %and3A_284 : i1
        %ne3A_286 = arith.cmpi ne, %add3A_150, %add3A_168 : i32
        %or3A_287 = arith.constant false
        %or3A_288 = arith.ori %or3A_287, %ne3A_286 : i1
        %or3A_289 = arith.constant false
        %or3A_290 = arith.ori %or3A_288, %or3A_289 : i1
        %or3A_291 = arith.ori %or3A_290, %eq3A_149 : i1
        %add3A_292 = arith.constant 1 : i32
        %add3A_293 = arith.addi %scan3A_142, %add3A_292 : i32
        %select_n3A_294 = arith.select %or3A_291, %add3A_293, %scan3A_142 : i32
        %add3A_295 = arith.constant 0 : i32
        %add3A_296 = arith.addi %add3A_295, %add3A_150 : i32
        %add3A_297 = arith.constant 0 : i32
        %add3A_298 = arith.addi %add3A_297, %add3A_168 : i32
        %ne3A_299 = arith.cmpi ne, %add3A_296, %add3A_298 : i32
        %or3A_300 = arith.constant false
        %or3A_301 = arith.ori %or3A_300, %ne3A_299 : i1
        %or3A_302 = arith.ori %or3A_301, %eq3A_149 : i1
        %add3A_303 = arith.constant 1 : i32
        %add3A_304 = arith.addi %scan3A_144, %add3A_303 : i32
        %select_n3A_305 = arith.select %or3A_302, %add3A_304, %scan3A_144 : i32
        %add3A_306 = arith.constant 1 : i32
        %add3A_307 = arith.addi %scan3A_145, %add3A_306 : i32
        %select_n3A_308 = arith.constant true
        %select_n3A_309 = arith.select %select_n3A_308, %add3A_307, %scan3A_145 : i32
        %eq3A_310 = arith.constant 40 : i32
        %eq3A_311 = arith.cmpi eq, %select_n3A_309, %eq3A_310 : i32
        %select_n3A_312 = arith.constant 0 : i32
        %select_n3A_313 = arith.select %eq3A_311, %select_n3A_312, %select_n3A_309 : i32
        scf.yield %select_n3A_188, %select_n3A_294, %select_n3A_208, %select_n3A_305, %select_n3A_313 : i32, i32, i32, i32, i32
      }
      %scan3A_104 = arith.constant 40 : i32
      %sub3A = arith.constant 1 : i32
      %sub3A_105 = arith.subi %scan3A_103#4, %sub3A : i32
      %select_n3A_106 = arith.constant true
      %select_n3A_107 = arith.select %select_n3A_106, %sub3A_105, %scan3A_103#4 : i32
      %eq3A_108 = arith.constant -1 : i32
      %eq3A_109 = arith.cmpi eq, %select_n3A_107, %eq3A_108 : i32
      %select_n3A_110 = arith.constant 39 : i32
      %select_n3A_111 = arith.select %eq3A_109, %select_n3A_110, %select_n3A_107 : i32
      %add3A_112 = arith.addi %select_n3A_111, %mul3A_8 : i32
      %sub3A_113 = arith.constant 1 : i32
      %sub3A_114 = arith.subi %select_n3A_111, %sub3A_113 : i32
      %select_n3A_115 = arith.constant true
      %select_n3A_116 = arith.select %select_n3A_115, %sub3A_114, %select_n3A_111 : i32
      %eq3A_117 = arith.constant -1 : i32
      %eq3A_118 = arith.cmpi eq, %select_n3A_116, %eq3A_117 : i32
      %select_n3A_119 = arith.constant 39 : i32
      %select_n3A_120 = arith.select %eq3A_118, %select_n3A_119, %select_n3A_116 : i32
      %add3A_121 = arith.addi %select_n3A_120, %mul3A_8 : i32
      %add3A_122 = arith.constant 1 : i32
      %add3A_123 = arith.addi %select_n3A_111, %add3A_122 : i32
      %select_n3A_124 = arith.constant true
      %select_n3A_125 = arith.select %select_n3A_124, %add3A_123, %select_n3A_111 : i32
      %eq3A_126 = arith.constant 40 : i32
      %eq3A_127 = arith.cmpi eq, %select_n3A_125, %eq3A_126 : i32
      %select_n3A_128 = arith.constant 0 : i32
      %select_n3A_129 = arith.select %eq3A_127, %select_n3A_128, %select_n3A_125 : i32
      %add3A_130 = arith.addi %select_n3A_129, %mul3A_8 : i32
      %add3A_131 = arith.constant 1 : i32
      %add3A_132 = arith.addi %select_n3A_129, %add3A_131 : i32
      %select_n3A_133 = arith.constant true
      %select_n3A_134 = arith.select %select_n3A_133, %add3A_132, %select_n3A_129 : i32
      %eq3A_135 = arith.constant 40 : i32
      %eq3A_136 = arith.cmpi eq, %select_n3A_134, %eq3A_135 : i32
      %select_n3A_137 = arith.constant 0 : i32
      %select_n3A_138 = arith.select %eq3A_136, %select_n3A_137, %select_n3A_134 : i32
      %add3A_139 = arith.addi %select_n3A_138, %mul3A_8 : i32
      tpu.yield
    }) : () -> ()
    %barrier3A_9 = arith.constant 0 : index
    tpu.barrier barrier_id(%barrier3A_9)
    %mul3A_10 = arith.constant 640 : i32
    %mul3A_11 = arith.muli %arg1, %mul3A_10 : i32
    %mul3A_12 = arith.constant 10240 : i32
    %mul3A_13 = arith.muli %arg0, %mul3A_12 : i32
    %mul3A_14 = arith.constant 640 : i32
    %mul3A_15 = arith.muli %arg1, %mul3A_14 : i32
    %add3A_16 = arith.addi %mul3A_13, %mul3A_15 : i32
    "tpu.region"() ({
      %run_scoped3A = tpu.sem_alloc : memref<!tpu.dma_semaphore, #tpu.memory_space<semaphore_mem>>
      %dma_start3A = arith.constant 0 : i32
      %dma_start3A_17 = tpu.memref_slice %arg5[%add3A_16, %dma_start3A] : memref<20480x128xf32, #tpu.memory_space<hbm>> -> memref<640x128xf32, #tpu.memory_space<hbm>>
      %dma_start3A_18 = arith.constant 0 : i32
      %dma_start3A_19 = tpu.memref_slice %arg6[%mul3A_11, %dma_start3A_18] : memref<10240x128xf32, #tpu.memory_space<vmem_shared>> -> memref<640x128xf32, #tpu.memory_space<vmem_shared>>
      tpu.enqueue_dma source(%dma_start3A_19 : memref<640x128xf32, #tpu.memory_space<vmem_shared>>) target(%dma_start3A_17 : memref<640x128xf32, #tpu.memory_space<hbm>>) target_semaphore(%run_scoped3A : memref<!tpu.dma_semaphore, #tpu.memory_space<semaphore_mem>>)
      %dma_wait3A = arith.constant 0 : i32
      %dma_wait3A_20 = tpu.memref_slice %arg5[%add3A_16, %dma_wait3A] : memref<20480x128xf32, #tpu.memory_space<hbm>> -> memref<640x128xf32, #tpu.memory_space<hbm>>
      %dma_wait3A_21 = arith.constant 0 : i32
      %dma_wait3A_22 = tpu.memref_slice %arg6[%mul3A_11, %dma_wait3A_21] : memref<10240x128xf32, #tpu.memory_space<vmem_shared>> -> memref<640x128xf32, #tpu.memory_space<vmem_shared>>
      tpu.wait_dma2 semaphore(%run_scoped3A : memref<!tpu.dma_semaphore, #tpu.memory_space<semaphore_mem>>) src(%dma_wait3A_22 : memref<640x128xf32, #tpu.memory_space<vmem_shared>>) dst(%dma_wait3A_20 : memref<640x128xf32, #tpu.memory_space<hbm>>)
      tpu.yield
    }) : () -> ()
    return
  }
}

module attributes {stable_mosaic.version = 14 : i64} {
  func.func @_msg_body(%arg0: i32, %arg1: memref<4096x16xf32, #tpu.memory_space<vmem>>, %arg2: memref<4096x128xf32, #tpu.memory_space<vmem>>, %arg3: memref<16x32xf32, #tpu.memory_space<vmem>>, %arg4: memref<1x32xf32, #tpu.memory_space<vmem>>, %arg5: memref<32x1024xbf16, #tpu.memory_space<vmem>>, %arg6: memref<32x1024xbf16, #tpu.memory_space<vmem>>, %arg7: memref<32x32xbf16, #tpu.memory_space<vmem>>, %arg8: memref<4096x128xf32, #tpu.memory_space<vmem>>) attributes {dimension_semantics = [#tpu.dimension_semantics<arbitrary>], iteration_bounds = array<i64: 40>, scalar_prefetch = 0 : i64, scratch_operands = 0 : i64, tpu.core_type = #tpu.core_type<tc>, window_params = [{transform_indices = @transform_0, window_bounds = array<i64: 4096, 16>}, {transform_indices = @transform_1, window_bounds = array<i64: 4096, 128>}, {pipeline_mode = #tpu.pipeline_mode<synchronous>, transform_indices = @transform_2, window_bounds = array<i64: 16, 32>}, {pipeline_mode = #tpu.pipeline_mode<synchronous>, transform_indices = @transform_3, window_bounds = array<i64: 1, 32>}, {pipeline_mode = #tpu.pipeline_mode<synchronous>, transform_indices = @transform_4, window_bounds = array<i64: 32, 1024>}, {pipeline_mode = #tpu.pipeline_mode<synchronous>, transform_indices = @transform_5, window_bounds = array<i64: 32, 1024>}, {pipeline_mode = #tpu.pipeline_mode<synchronous>, transform_indices = @transform_6, window_bounds = array<i64: 32, 32>}, {transform_indices = @transform_7, window_bounds = array<i64: 4096, 128>}]} {
    %get3A = arith.constant 0 : index
    %get3A_0 = arith.constant 0 : index
    %get3A_1 = vector.load %arg2[%get3A, %get3A_0] : memref<4096x128xf32, #tpu.memory_space<vmem>>, vector<4096x32xf32>
    %convert_element_type3A = arith.truncf %get3A_1 : vector<4096x32xf32> to vector<4096x32xbf16>
    %get3A_2 = arith.constant 0 : index
    %get3A_3 = arith.constant 0 : index
    %get3A_4 = vector.load %arg1[%get3A_2, %get3A_3] : memref<4096x16xf32, #tpu.memory_space<vmem>>, vector<4096x16xf32>
    %get3A_5 = arith.constant 0 : index
    %get3A_6 = arith.constant 0 : index
    %get3A_7 = vector.load %arg3[%get3A_5, %get3A_6] : memref<16x32xf32, #tpu.memory_space<vmem>>, vector<16x32xf32>
    %dot_general3A = arith.constant dense<0.000000e+00> : vector<4096x32xf32>
    %dot_general3A_8 = tpu.matmul %get3A_4, %get3A_7, %dot_general3A {dimension_numbers = #tpu.dot_dimension_numbers<[1], [0], [0], [1], [0, 0, 1, 1], [], []>, transpose_lhs_hint = false} : vector<4096x16xf32>, vector<16x32xf32>, vector<4096x32xf32> -> vector<4096x32xf32>
    %get3A_9 = arith.constant 0 : index
    %get3A_10 = arith.constant 0 : index
    %get3A_11 = vector.load %arg4[%get3A_9, %get3A_10] : memref<1x32xf32, #tpu.memory_space<vmem>>, vector<1x32xf32>
    %add3A = vector.broadcast %get3A_11 : vector<1x32xf32> to vector<4096x32xf32>
    %add3A_12 = arith.addf %dot_general3A_8, %add3A : vector<4096x32xf32>
    %max3A = arith.constant 0.000000e+00 : f32
    %max3A_13 = vector.broadcast %max3A : f32 to vector<4096x32xf32>
    %max3A_14 = arith.maximumf %add3A_12, %max3A_13 : vector<4096x32xf32>
    %get3A_15 = arith.constant 0 : index
    %get3A_16 = arith.constant 0 : index
    %get3A_17 = vector.load %arg6[%get3A_15, %get3A_16] : memref<32x1024xbf16, #tpu.memory_space<vmem>>, vector<32x1024xbf16>
    %dot_general3A_18 = arith.constant dense<0.000000e+00> : vector<4096x1024xf32>
    %dot_general3A_19 = tpu.matmul %convert_element_type3A, %get3A_17, %dot_general3A_18 {dimension_numbers = #tpu.dot_dimension_numbers<[1], [0], [0], [1], [0, 0, 1, 1], [], []>, transpose_lhs_hint = false} : vector<4096x32xbf16>, vector<32x1024xbf16>, vector<4096x1024xf32> -> vector<4096x1024xf32>
    %convert_element_type3A_20 = arith.truncf %max3A_14 : vector<4096x32xf32> to vector<4096x32xbf16>
    %get3A_21 = arith.constant 0 : index
    %get3A_22 = arith.constant 0 : index
    %get3A_23 = vector.load %arg5[%get3A_21, %get3A_22] : memref<32x1024xbf16, #tpu.memory_space<vmem>>, vector<32x1024xbf16>
    %dot_general3A_24 = arith.constant dense<0.000000e+00> : vector<4096x1024xf32>
    %dot_general3A_25 = tpu.matmul %convert_element_type3A_20, %get3A_23, %dot_general3A_24 {dimension_numbers = #tpu.dot_dimension_numbers<[1], [0], [0], [1], [0, 0, 1, 1], [], []>, transpose_lhs_hint = false} : vector<4096x32xbf16>, vector<32x1024xbf16>, vector<4096x1024xf32> -> vector<4096x1024xf32>
    %mul3A = arith.mulf %dot_general3A_25, %dot_general3A_19 : vector<4096x1024xf32>
    %slice3A = vector.extract_strided_slice %mul3A {offsets = [0, 0], sizes = [4096, 128], strides = [1, 1]} : vector<4096x1024xf32> to vector<4096x128xf32>
    %slice3A_26 = vector.extract_strided_slice %mul3A {offsets = [0, 128], sizes = [4096, 128], strides = [1, 1]} : vector<4096x1024xf32> to vector<4096x128xf32>
    %slice3A_27 = vector.extract_strided_slice %mul3A {offsets = [0, 256], sizes = [4096, 128], strides = [1, 1]} : vector<4096x1024xf32> to vector<4096x128xf32>
    %slice3A_28 = vector.extract_strided_slice %mul3A {offsets = [0, 384], sizes = [4096, 128], strides = [1, 1]} : vector<4096x1024xf32> to vector<4096x128xf32>
    %slice3A_29 = vector.extract_strided_slice %mul3A {offsets = [0, 512], sizes = [4096, 128], strides = [1, 1]} : vector<4096x1024xf32> to vector<4096x128xf32>
    %slice3A_30 = vector.extract_strided_slice %mul3A {offsets = [0, 640], sizes = [4096, 128], strides = [1, 1]} : vector<4096x1024xf32> to vector<4096x128xf32>
    %slice3A_31 = vector.extract_strided_slice %mul3A {offsets = [0, 768], sizes = [4096, 128], strides = [1, 1]} : vector<4096x1024xf32> to vector<4096x128xf32>
    %slice3A_32 = vector.extract_strided_slice %mul3A {offsets = [0, 896], sizes = [4096, 128], strides = [1, 1]} : vector<4096x1024xf32> to vector<4096x128xf32>
    %add3A_33 = arith.addf %slice3A, %slice3A_26 : vector<4096x128xf32>
    %add3A_34 = arith.addf %slice3A_27, %slice3A_28 : vector<4096x128xf32>
    %add3A_35 = arith.addf %add3A_33, %add3A_34 : vector<4096x128xf32>
    %add3A_36 = arith.addf %slice3A_29, %slice3A_30 : vector<4096x128xf32>
    %add3A_37 = arith.addf %slice3A_31, %slice3A_32 : vector<4096x128xf32>
    %add3A_38 = arith.addf %add3A_36, %add3A_37 : vector<4096x128xf32>
    %add3A_39 = arith.addf %add3A_35, %add3A_38 : vector<4096x128xf32>
    %slice3A_40 = vector.extract_strided_slice %add3A_39 {offsets = [0, 0], sizes = [4096, 32], strides = [1, 1]} : vector<4096x128xf32> to vector<4096x32xf32>
    %slice3A_41 = vector.extract_strided_slice %add3A_39 {offsets = [0, 32], sizes = [4096, 32], strides = [1, 1]} : vector<4096x128xf32> to vector<4096x32xf32>
    %add3A_42 = arith.addf %slice3A_40, %slice3A_41 : vector<4096x32xf32>
    %slice3A_43 = vector.extract_strided_slice %add3A_39 {offsets = [0, 64], sizes = [4096, 32], strides = [1, 1]} : vector<4096x128xf32> to vector<4096x32xf32>
    %slice3A_44 = vector.extract_strided_slice %add3A_39 {offsets = [0, 96], sizes = [4096, 32], strides = [1, 1]} : vector<4096x128xf32> to vector<4096x32xf32>
    %add3A_45 = arith.addf %slice3A_43, %slice3A_44 : vector<4096x32xf32>
    %add3A_46 = arith.addf %add3A_42, %add3A_45 : vector<4096x32xf32>
    %get3A_47 = arith.constant 0 : index
    %get3A_48 = arith.constant 0 : index
    %get3A_49 = vector.load %arg7[%get3A_47, %get3A_48] : memref<32x32xbf16, #tpu.memory_space<vmem>>, vector<32x32xbf16>
    %dot_general3A_50 = arith.constant dense<0.000000e+00> : vector<4096x32xf32>
    %dot_general3A_51 = tpu.matmul %convert_element_type3A, %get3A_49, %dot_general3A_50 {dimension_numbers = #tpu.dot_dimension_numbers<[1], [0], [0], [1], [0, 0, 1, 1], [], []>, transpose_lhs_hint = false} : vector<4096x32xbf16>, vector<32x32xbf16>, vector<4096x32xf32> -> vector<4096x32xf32>
    %add3A_52 = arith.addf %add3A_46, %dot_general3A_51 : vector<4096x32xf32>
    %swap3A = arith.constant 0 : index
    %swap3A_53 = arith.constant 0 : index
    %swap3A_54 = vector.load %arg8[%swap3A, %swap3A_53] : memref<4096x128xf32, #tpu.memory_space<vmem>>, vector<4096x32xf32>
    tpu.vector_store %arg8[%swap3A, %swap3A_53], %add3A_52 {strides = array<i32>} : memref<4096x128xf32, #tpu.memory_space<vmem>>, vector<4096x32xf32>,
    %broadcast_in_dim3A = arith.constant 1.000000e+00 : f32
    %broadcast_in_dim3A_55 = vector.broadcast %broadcast_in_dim3A : f32 to vector<4096x32xf32>
    %swap3A_56 = arith.constant 0 : index
    %swap3A_57 = arith.constant 32 : index
    %swap3A_58 = vector.load %arg8[%swap3A_56, %swap3A_57] : memref<4096x128xf32, #tpu.memory_space<vmem>>, vector<4096x32xf32>
    tpu.vector_store %arg8[%swap3A_56, %swap3A_57], %broadcast_in_dim3A_55 {strides = array<i32>} : memref<4096x128xf32, #tpu.memory_space<vmem>>, vector<4096x32xf32>,
    return
  }
  func.func @transform_0(%arg0: i32) -> (i32, i32) {
    %c0_i32 = arith.constant 0 : i32
    %c0_i32_0 = arith.constant 0 : i32
    return %arg0, %c0_i32 : i32, i32
  }
  func.func @transform_1(%arg0: i32) -> (i32, i32) {
    %c0_i32 = arith.constant 0 : i32
    %c0_i32_0 = arith.constant 0 : i32
    return %arg0, %c0_i32 : i32, i32
  }
  func.func @transform_2(%arg0: i32) -> (i32, i32) {
    %c0_i32 = arith.constant 0 : i32
    %c0_i32_0 = arith.constant 0 : i32
    %c0_i32_1 = arith.constant 0 : i32
    return %c0_i32, %c0_i32_0 : i32, i32
  }
  func.func @transform_3(%arg0: i32) -> (i32, i32) {
    %c0_i32 = arith.constant 0 : i32
    %c0_i32_0 = arith.constant 0 : i32
    %c0_i32_1 = arith.constant 0 : i32
    return %c0_i32, %c0_i32_0 : i32, i32
  }
  func.func @transform_4(%arg0: i32) -> (i32, i32) {
    %c0_i32 = arith.constant 0 : i32
    %c0_i32_0 = arith.constant 0 : i32
    %c0_i32_1 = arith.constant 0 : i32
    return %c0_i32, %c0_i32_0 : i32, i32
  }
  func.func @transform_5(%arg0: i32) -> (i32, i32) {
    %c0_i32 = arith.constant 0 : i32
    %c0_i32_0 = arith.constant 0 : i32
    %c0_i32_1 = arith.constant 0 : i32
    return %c0_i32, %c0_i32_0 : i32, i32
  }
  func.func @transform_6(%arg0: i32) -> (i32, i32) {
    %c0_i32 = arith.constant 0 : i32
    %c0_i32_0 = arith.constant 0 : i32
    %c0_i32_1 = arith.constant 0 : i32
    return %c0_i32, %c0_i32_0 : i32, i32
  }
  func.func @transform_7(%arg0: i32) -> (i32, i32) {
    %c0_i32 = arith.constant 0 : i32
    %c0_i32_0 = arith.constant 0 : i32
    return %arg0, %c0_i32 : i32, i32
  }
}

module attributes {stable_mosaic.version = 14 : i64} {
  func.func @_final_body(%arg0: i32, %arg1: memref<2x2000x128xf32, #tpu.memory_space<vmem>>, %arg2: memref<2000x32xf32, #tpu.memory_space<vmem>>, %arg3: memref<32x96xf32, #tpu.memory_space<vmem>>, %arg4: memref<32x96xf32, #tpu.memory_space<vmem>>, %arg5: memref<1x96xf32, #tpu.memory_space<vmem>>, %arg6: memref<1x96xf32, #tpu.memory_space<vmem>>, %arg7: memref<1x32xf32, #tpu.memory_space<vmem>>, %arg8: memref<1x32xf32, #tpu.memory_space<vmem>>, %arg9: memref<1x32xf32, #tpu.memory_space<vmem>>, %arg10: memref<1x32xf32, #tpu.memory_space<vmem>>, %arg11: memref<2000x32xf32, #tpu.memory_space<vmem>>, %arg12: memref<2000x32xf32, #tpu.memory_space<vmem>>) attributes {dimension_semantics = [#tpu.dimension_semantics<arbitrary>], iteration_bounds = array<i64: 5>, scalar_prefetch = 0 : i64, scratch_operands = 0 : i64, tpu.core_type = #tpu.core_type<tc>, window_params = [{transform_indices = @transform_0, window_bounds = array<i64: 2, 2000, 128>}, {transform_indices = @transform_1, window_bounds = array<i64: 2000, 32>}, {pipeline_mode = #tpu.pipeline_mode<synchronous>, transform_indices = @transform_2, window_bounds = array<i64: 32, 96>}, {pipeline_mode = #tpu.pipeline_mode<synchronous>, transform_indices = @transform_3, window_bounds = array<i64: 32, 96>}, {pipeline_mode = #tpu.pipeline_mode<synchronous>, transform_indices = @transform_4, window_bounds = array<i64: 1, 96>}, {pipeline_mode = #tpu.pipeline_mode<synchronous>, transform_indices = @transform_5, window_bounds = array<i64: 1, 96>}, {pipeline_mode = #tpu.pipeline_mode<synchronous>, transform_indices = @transform_6, window_bounds = array<i64: 1, 32>}, {pipeline_mode = #tpu.pipeline_mode<synchronous>, transform_indices = @transform_7, window_bounds = array<i64: 1, 32>}, {pipeline_mode = #tpu.pipeline_mode<synchronous>, transform_indices = @transform_8, window_bounds = array<i64: 1, 32>}, {pipeline_mode = #tpu.pipeline_mode<synchronous>, transform_indices = @transform_9, window_bounds = array<i64: 1, 32>}, {transform_indices = @transform_10, window_bounds = array<i64: 2000, 32>}, {transform_indices = @transform_11, window_bounds = array<i64: 2000, 32>}]} {
    %get3A = arith.constant 0 : index
    %get3A_0 = arith.constant 0 : index
    %get3A_1 = arith.constant 0 : index
    %get3A_2 = vector.load %arg1[%get3A, %get3A_0, %get3A_1] : memref<2x2000x128xf32, #tpu.memory_space<vmem>>, vector<1x2000x128xf32>
    %get3A_3 = vector.shape_cast %get3A_2 : vector<1x2000x128xf32> to vector<2000x128xf32>
    %get3A_4 = arith.constant 1 : index
    %get3A_5 = arith.constant 0 : index
    %get3A_6 = arith.constant 0 : index
    %get3A_7 = vector.load %arg1[%get3A_4, %get3A_5, %get3A_6] : memref<2x2000x128xf32, #tpu.memory_space<vmem>>, vector<1x2000x128xf32>
    %get3A_8 = vector.shape_cast %get3A_7 : vector<1x2000x128xf32> to vector<2000x128xf32>
    %add3A = arith.addf %get3A_3, %get3A_8 : vector<2000x128xf32>
    %slice3A = vector.extract_strided_slice %add3A {offsets = [0, 0], sizes = [2000, 32], strides = [1, 1]} : vector<2000x128xf32> to vector<2000x32xf32>
    %slice3A_9 = vector.extract_strided_slice %add3A {offsets = [0, 32], sizes = [2000, 1], strides = [1, 1]} : vector<2000x128xf32> to vector<2000x1xf32>
    %max3A = arith.constant 1.000000e+00 : f32
    %max3A_10 = vector.broadcast %max3A : f32 to vector<2000x1xf32>
    %max3A_11 = arith.maximumf %slice3A_9, %max3A_10 : vector<2000x1xf32>
    %div3A = vector.broadcast %max3A_11 : vector<2000x1xf32> to vector<2000x32xf32>
    %div3A_12 = arith.divf %slice3A, %div3A : vector<2000x32xf32>
    %get3A_13 = arith.constant 0 : index
    %get3A_14 = arith.constant 0 : index
    %get3A_15 = vector.load %arg2[%get3A_13, %get3A_14] : memref<2000x32xf32, #tpu.memory_space<vmem>>, vector<2000x32xf32>
    %get3A_16 = arith.constant 0 : index
    %get3A_17 = arith.constant 0 : index
    %get3A_18 = vector.load %arg3[%get3A_16, %get3A_17] : memref<32x96xf32, #tpu.memory_space<vmem>>, vector<32x96xf32>
    %dot_general3A = arith.constant dense<0.000000e+00> : vector<2000x96xf32>
    %dot_general3A_19 = tpu.matmul %div3A_12, %get3A_18, %dot_general3A {dimension_numbers = #tpu.dot_dimension_numbers<[1], [0], [0], [1], [0, 0, 1, 1], [], []>, transpose_lhs_hint = false} : vector<2000x32xf32>, vector<32x96xf32>, vector<2000x96xf32> -> vector<2000x96xf32>
    %get3A_20 = arith.constant 0 : index
    %get3A_21 = arith.constant 0 : index
    %get3A_22 = vector.load %arg5[%get3A_20, %get3A_21] : memref<1x96xf32, #tpu.memory_space<vmem>>, vector<1x96xf32>
    %add3A_23 = vector.broadcast %get3A_22 : vector<1x96xf32> to vector<2000x96xf32>
    %add3A_24 = arith.addf %dot_general3A_19, %add3A_23 : vector<2000x96xf32>
    %get3A_25 = arith.constant 0 : index
    %get3A_26 = arith.constant 0 : index
    %get3A_27 = vector.load %arg4[%get3A_25, %get3A_26] : memref<32x96xf32, #tpu.memory_space<vmem>>, vector<32x96xf32>
    %dot_general3A_28 = arith.constant dense<0.000000e+00> : vector<2000x96xf32>
    %dot_general3A_29 = tpu.matmul %get3A_15, %get3A_27, %dot_general3A_28 {dimension_numbers = #tpu.dot_dimension_numbers<[1], [0], [0], [1], [0, 0, 1, 1], [], []>, transpose_lhs_hint = false} : vector<2000x32xf32>, vector<32x96xf32>, vector<2000x96xf32> -> vector<2000x96xf32>
    %get3A_30 = arith.constant 0 : index
    %get3A_31 = arith.constant 0 : index
    %get3A_32 = vector.load %arg6[%get3A_30, %get3A_31] : memref<1x96xf32, #tpu.memory_space<vmem>>, vector<1x96xf32>
    %add3A_33 = vector.broadcast %get3A_32 : vector<1x96xf32> to vector<2000x96xf32>
    %add3A_34 = arith.addf %dot_general3A_29, %add3A_33 : vector<2000x96xf32>
    %slice3A_35 = vector.extract_strided_slice %add3A_24 {offsets = [0, 0], sizes = [2000, 32], strides = [1, 1]} : vector<2000x96xf32> to vector<2000x32xf32>
    %slice3A_36 = vector.extract_strided_slice %add3A_34 {offsets = [0, 0], sizes = [2000, 32], strides = [1, 1]} : vector<2000x96xf32> to vector<2000x32xf32>
    %add3A_37 = arith.addf %slice3A_35, %slice3A_36 : vector<2000x32xf32>
    %logistic3A = arith.negf %add3A_37 : vector<2000x32xf32>
    %logistic3A_38 = math.exp %logistic3A : vector<2000x32xf32>
    %logistic3A_39 = arith.constant 1.000000e+00 : f32
    %logistic3A_40 = vector.broadcast %logistic3A_39 : f32 to vector<2000x32xf32>
    %logistic3A_41 = arith.addf %logistic3A_40, %logistic3A_38 : vector<2000x32xf32>
    %logistic3A_42 = arith.divf %logistic3A_40, %logistic3A_41 : vector<2000x32xf32>
    %slice3A_43 = vector.extract_strided_slice %add3A_24 {offsets = [0, 32], sizes = [2000, 32], strides = [1, 1]} : vector<2000x96xf32> to vector<2000x32xf32>
    %slice3A_44 = vector.extract_strided_slice %add3A_34 {offsets = [0, 32], sizes = [2000, 32], strides = [1, 1]} : vector<2000x96xf32> to vector<2000x32xf32>
    %add3A_45 = arith.addf %slice3A_43, %slice3A_44 : vector<2000x32xf32>
    %logistic3A_46 = arith.negf %add3A_45 : vector<2000x32xf32>
    %logistic3A_47 = math.exp %logistic3A_46 : vector<2000x32xf32>
    %logistic3A_48 = arith.constant 1.000000e+00 : f32
    %logistic3A_49 = vector.broadcast %logistic3A_48 : f32 to vector<2000x32xf32>
    %logistic3A_50 = arith.addf %logistic3A_49, %logistic3A_47 : vector<2000x32xf32>
    %logistic3A_51 = arith.divf %logistic3A_49, %logistic3A_50 : vector<2000x32xf32>
    %slice3A_52 = vector.extract_strided_slice %add3A_24 {offsets = [0, 64], sizes = [2000, 32], strides = [1, 1]} : vector<2000x96xf32> to vector<2000x32xf32>
    %slice3A_53 = vector.extract_strided_slice %add3A_34 {offsets = [0, 64], sizes = [2000, 32], strides = [1, 1]} : vector<2000x96xf32> to vector<2000x32xf32>
    %mul3A = arith.mulf %logistic3A_51, %slice3A_53 : vector<2000x32xf32>
    %add3A_54 = arith.addf %slice3A_52, %mul3A : vector<2000x32xf32>
    %tanh3A = math.tanh %add3A_54 : vector<2000x32xf32>
    %mul3A_55 = arith.mulf %logistic3A_42, %get3A_15 : vector<2000x32xf32>
    %sub3A = arith.constant 1.000000e+00 : f32
    %sub3A_56 = vector.broadcast %sub3A : f32 to vector<2000x32xf32>
    %sub3A_57 = arith.subf %sub3A_56, %logistic3A_42 : vector<2000x32xf32>
    %mul3A_58 = arith.mulf %sub3A_57, %tanh3A : vector<2000x32xf32>
    %add3A_59 = arith.addf %mul3A_55, %mul3A_58 : vector<2000x32xf32>
    %get3A_60 = arith.constant 0 : index
    %get3A_61 = arith.constant 0 : index
    %get3A_62 = vector.load %arg7[%get3A_60, %get3A_61] : memref<1x32xf32, #tpu.memory_space<vmem>>, vector<1x32xf32>
    %get3A_63 = arith.constant 0 : index
    %get3A_64 = arith.constant 0 : index
    %get3A_65 = vector.load %arg9[%get3A_63, %get3A_64] : memref<1x32xf32, #tpu.memory_space<vmem>>, vector<1x32xf32>
    %sub3A_66 = vector.broadcast %get3A_65 : vector<1x32xf32> to vector<2000x32xf32>
    %sub3A_67 = arith.subf %add3A_59, %sub3A_66 : vector<2000x32xf32>
    %mul3A_68 = vector.broadcast %get3A_62 : vector<1x32xf32> to vector<2000x32xf32>
    %mul3A_69 = arith.mulf %mul3A_68, %sub3A_67 : vector<2000x32xf32>
    %get3A_70 = arith.constant 0 : index
    %get3A_71 = arith.constant 0 : index
    %get3A_72 = vector.load %arg10[%get3A_70, %get3A_71] : memref<1x32xf32, #tpu.memory_space<vmem>>, vector<1x32xf32>
    %add3A_73 = arith.constant 1.000000e-03 : f32
    %add3A_74 = vector.broadcast %add3A_73 : f32 to vector<1x32xf32>
    %add3A_75 = arith.addf %get3A_72, %add3A_74 : vector<1x32xf32>
    %rsqrt3A = math.rsqrt %add3A_75 : vector<1x32xf32>
    %mul3A_76 = vector.broadcast %rsqrt3A : vector<1x32xf32> to vector<2000x32xf32>
    %mul3A_77 = arith.mulf %mul3A_69, %mul3A_76 : vector<2000x32xf32>
    %get3A_78 = arith.constant 0 : index
    %get3A_79 = arith.constant 0 : index
    %get3A_80 = vector.load %arg8[%get3A_78, %get3A_79] : memref<1x32xf32, #tpu.memory_space<vmem>>, vector<1x32xf32>
    %add3A_81 = vector.broadcast %get3A_80 : vector<1x32xf32> to vector<2000x32xf32>
    %add3A_82 = arith.addf %mul3A_77, %add3A_81 : vector<2000x32xf32>
    %tanh3A_83 = math.tanh %add3A_82 : vector<2000x32xf32>
    %swap3A = arith.constant 0 : index
    %swap3A_84 = arith.constant 0 : index
    %swap3A_85 = vector.load %arg11[%swap3A, %swap3A_84] : memref<2000x32xf32, #tpu.memory_space<vmem>>, vector<2000x32xf32>
    tpu.vector_store %arg11[%swap3A, %swap3A_84], %tanh3A_83 {strides = array<i32>} : memref<2000x32xf32, #tpu.memory_space<vmem>>, vector<2000x32xf32>,
    %swap3A_86 = arith.constant 0 : index
    %swap3A_87 = arith.constant 0 : index
    %swap3A_88 = vector.load %arg12[%swap3A_86, %swap3A_87] : memref<2000x32xf32, #tpu.memory_space<vmem>>, vector<2000x32xf32>
    tpu.vector_store %arg12[%swap3A_86, %swap3A_87], %add3A_59 {strides = array<i32>} : memref<2000x32xf32, #tpu.memory_space<vmem>>, vector<2000x32xf32>,
    return
  }
  func.func @transform_0(%arg0: i32) -> (i32, i32, i32) {
    %c0_i32 = arith.constant 0 : i32
    %c0_i32_0 = arith.constant 0 : i32
    %c0_i32_1 = arith.constant 0 : i32
    return %c0_i32, %arg0, %c0_i32_0 : i32, i32, i32
  }
  func.func @transform_1(%arg0: i32) -> (i32, i32) {
    %c0_i32 = arith.constant 0 : i32
    %c0_i32_0 = arith.constant 0 : i32
    return %arg0, %c0_i32 : i32, i32
  }
  func.func @transform_2(%arg0: i32) -> (i32, i32) {
    %c0_i32 = arith.constant 0 : i32
    %c0_i32_0 = arith.constant 0 : i32
    %c0_i32_1 = arith.constant 0 : i32
    return %c0_i32, %c0_i32_0 : i32, i32
  }
  func.func @transform_3(%arg0: i32) -> (i32, i32) {
    %c0_i32 = arith.constant 0 : i32
    %c0_i32_0 = arith.constant 0 : i32
    %c0_i32_1 = arith.constant 0 : i32
    return %c0_i32, %c0_i32_0 : i32, i32
  }
  func.func @transform_4(%arg0: i32) -> (i32, i32) {
    %c0_i32 = arith.constant 0 : i32
    %c0_i32_0 = arith.constant 0 : i32
    %c0_i32_1 = arith.constant 0 : i32
    return %c0_i32, %c0_i32_0 : i32, i32
  }
  func.func @transform_5(%arg0: i32) -> (i32, i32) {
    %c0_i32 = arith.constant 0 : i32
    %c0_i32_0 = arith.constant 0 : i32
    %c0_i32_1 = arith.constant 0 : i32
    return %c0_i32, %c0_i32_0 : i32, i32
  }
  func.func @transform_6(%arg0: i32) -> (i32, i32) {
    %c0_i32 = arith.constant 0 : i32
    %c0_i32_0 = arith.constant 0 : i32
    %c0_i32_1 = arith.constant 0 : i32
    return %c0_i32, %c0_i32_0 : i32, i32
  }
  func.func @transform_7(%arg0: i32) -> (i32, i32) {
    %c0_i32 = arith.constant 0 : i32
    %c0_i32_0 = arith.constant 0 : i32
    %c0_i32_1 = arith.constant 0 : i32
    return %c0_i32, %c0_i32_0 : i32, i32
  }
  func.func @transform_8(%arg0: i32) -> (i32, i32) {
    %c0_i32 = arith.constant 0 : i32
    %c0_i32_0 = arith.constant 0 : i32
    %c0_i32_1 = arith.constant 0 : i32
    return %c0_i32, %c0_i32_0 : i32, i32
  }
  func.func @transform_9(%arg0: i32) -> (i32, i32) {
    %c0_i32 = arith.constant 0 : i32
    %c0_i32_0 = arith.constant 0 : i32
    %c0_i32_1 = arith.constant 0 : i32
    return %c0_i32, %c0_i32_0 : i32, i32
  }
  func.func @transform_10(%arg0: i32) -> (i32, i32) {
    %c0_i32 = arith.constant 0 : i32
    %c0_i32_0 = arith.constant 0 : i32
    return %arg0, %c0_i32 : i32, i32
  }
  func.func @transform_11(%arg0: i32) -> (i32, i32) {
    %c0_i32 = arith.constant 0 : i32
    %c0_i32_0 = arith.constant 0 : i32
    return %arg0, %c0_i32 : i32, i32
  }
}

</mosaic_0001>

<sc_bundles>
// kernel: kernel.6.cloned.1.call-start
scs
__scs_entry_jumppad:
0x0: {  	(pc) =	sbr.rel $0x88, $3  }
0x1: {  	(tag) =	ssettag $0x0;
	lr =	simm.s32 $0x1  }
0x2: {  	[smem:$0x3F91] =	sst lr;
	_ =	strace $0xD0000000  }
0x3: {  	_ = 	snop  }
0x4: {  	_ = 	snop  }
0x5: {  	_ = 	snop  }
0x6: {  	_ = 	snop  }
0x7: {  	_ = 	snop  }
__scs_overlays_trampoline_lowered:
0x8: {  	[smem:$0x3FA0] =	sst s0  }
0x9: {  	[smem:$0x3FA1] =	sst s1  }
0xa: {  	[smem:$0x3FA2] =	sst s2  }
0xb: {  	[smem:$0x3FA3] =	sst s3  }
0xc: {  	[smem:$0x3FA4] =	sst s4  }
0xd: {  	[smem:$0x3FA5] =	sst s5  }
0xe: {  	[smem:$0x3FA6] =	sst s6  }
0xf: {  	[smem:$0x3FA7] =	sst s7  }
0x10: {  	[smem:$0x3FA8] =	sst s8  }
0x11: {  	[smem:$0x3FA9] =	sst s9;
	s0 =	simm.s32 @!p0 $0x0  }
0x12: {  	s1 =	sld [smem:$0x3F8F];
	s0 =	simm.s32 @p0 $0x1  }
0x13: {  	[smem:$0x3FAA] =	sst s0;
	s0 =	simm.s32 @!p1 $0x0  }
0x14: {  	s2 =	sld [smem:$0x3F8E];
	s0 =	simm.s32 @p1 $0x1  }
0x15: {  	[smem:$0x3FAB] =	sst s0;
	s0 =	simm.s32 @!p2 $0x0  }
0x16: {  	s3 =	sld [smem:$0x3FDB];
	s0 =	simm.s32 @p2 $0x1  }
0x17: {  	s4 =	simm.s32 $0x1BF5;
	[smem:$0x3FAD] =	sst s0  }
0x18: {  	s0 =	sld [smem:$0x3F90];
	_ =	swait.ge [sflag:s4], $0x0  }
0x19: {  	s7 =	sld [smem:$0x3F91]  }
0x1a: {  	s8 =	sadd.s32 $0xFFFFE003, lr  }
0x1b: {  	s9 =	sadd.s32 $0xFFFFFEF7, lr;
	s5 =	simm.s32 $0xFFFFFFFF;
	p2 =	slt.u32 s8, $0xFFFFF086  }
0x1c: {  	p1 =	slt.u32 s9, $0xF7A;
	s5 =	simm.s32 @!p2 $0x0  }
0x1d: {  	s5 =	simm.s32 @p1 $0x1;
	p0 =	seq.s32 s7, s2  }
0x1e: {  	s7 =	smul.u32 @!p0 $0xF7A, s2;
	p2 =	seq.s32 @!p0 s5, $0x0  }
0x1f: {  	s9 =	smul.u32 $0xF7A, s1;
	s8 =	simm.s32 @!p0 $0x1BF5;
	p2 =	por !p2, p0  }
0x20: {  	[sflag:s8] =	ssyncset.s32 @!p0 $0xFFFFF086;
	s6 =	sadd.s32 @!p0 s3, s7;
	s7 =	simm.s32 @!p0 $0x108  }
0x21: {  	s3 =	sadd.s32 s3, s9;
	s6 =	sadd.s32 @!p0 $0x88, s6;
	s7 =	simm.s32 @p2 $0x1082  }
0x22: {  	[simem:s7], [sflag:s8] =	dma.local @!p0 [hbm:s6], $0xF7A  }
0x23: {  	s9 =	sor.u32 $0xD0000000, s2;
	s6 =	simm.s32 $0x108;
	_ =	swait.ge @!p0 [sflag:s8], $0x0  }
0x24: {  	s3 =	sadd.s32 $0x88, s3;
	s6 =	simm.s32 @!p1 $0x1082;
	[sflag:s4] =	ssyncset.s32 $0xFFFFF086  }
0x25: {  	[simem:s6], [sflag:s4] =	dma.local [hbm:s3], $0xF7A  }
0x26: {  	[smem:$0x3F91] =	sst s1;
	(tag) =	ssettag s2;
	_ =	strace s9  }
0x27: {  	s1 =	sld [smem:$0x3FA1]  }
0x28: {  	s2 =	sld [smem:$0x3FA2]  }
0x29: {  	s4 =	sld [smem:$0x3FA4]  }
0x2a: {  	p0 =	seq.s32 s5, $0x0;
	s5 =	sld [smem:$0x3FA5]  }
0x2b: {  	s6 =	sld [smem:$0x3FA6]  }
0x2c: {  	s7 =	sld [smem:$0x3FA7]  }
0x2d: {  	s3 =	simm.s32 $0x108;
	s8 =	sld [smem:$0x3FA8]  }
0x2e: {  	s3 =	simm.s32 @!p0 $0x1082;
	s9 =	sld [smem:$0x3FA9]  }
0x2f: {  	lr =	sadd.s32 s0, s3;
	s0 =	sld [smem:$0x3FA0]  }
0x30: {  	s3 =	sld [smem:$0x3FA3]  }
0x31: {  	[smem:$0x3FAC] =	sst s10  }
0x32: {  	s10 =	sld [smem:$0x3FAA];
	_ =	sdelay $0x3  }
0x33: {  	p0 =	seq.s32 s10, $0x1;
	s10 =	sld [smem:$0x3FAC];
	_ =	sdelay $0x3  }
0x34: {  	[smem:$0x3FAC] =	sst s10  }
0x35: {  	s10 =	sld [smem:$0x3FAB];
	_ =	sdelay $0x3  }
0x36: {  	p1 =	seq.s32 s10, $0x1;
	s10 =	sld [smem:$0x3FAC];
	_ =	sdelay $0x3  }
0x37: {  	[smem:$0x3FAC] =	sst s10  }
0x38: {  	s10 =	sld [smem:$0x3FAD]  }
0x39: {  	_ = 	snop;
	(pc) =	sbr.ind lr, $3  }
0x3a: {  	_ = 	snop  }
0x3b: {  	_ = 	snop  }
0x3c: {  	p2 =	seq.s32 s10, $0x1;
	s10 =	sld [smem:$0x3FAC]  }
0x3d: {  	_ =	shalt  }
0x3e: {  	_ =	shalt  }
0x3f: {  	_ =	shalt  }
0x40: {  	_ =	shalt  }
0x41: {  	_ =	shalt  }
0x42: {  	_ =	shalt  }
0x43: {  	_ =	shalt  }
0x44: {  	_ =	shalt  }
0x45: {  	_ =	shalt  }
0x46: {  	_ =	shalt  }
0x47: {  	_ =	shalt  }
0x48: {  	_ =	shalt  }
0x49: {  	_ =	shalt  }
0x4a: {  	_ =	shalt  }
0x4b: {  	_ =	shalt  }
0x4c: {  	_ =	shalt  }
0x4d: {  	_ =	shalt  }
0x4e: {  	_ =	shalt  }
0x4f: {  	_ =	shalt  }
0x50: {  	_ =	shalt  }
0x51: {  	_ =	shalt  }
0x52: {  	_ =	shalt  }
0x53: {  	_ =	shalt  }
0x54: {  	_ =	shalt  }
0x55: {  	_ =	shalt  }
0x56: {  	_ =	shalt  }
0x57: {  	_ =	shalt  }
0x58: {  	_ =	shalt  }
0x59: {  	_ =	shalt  }
0x5a: {  	_ =	shalt  }
0x5b: {  	_ =	shalt  }
0x5c: {  	_ =	shalt  }
0x5d: {  	_ =	shalt  }
0x5e: {  	_ =	shalt  }
0x5f: {  	_ =	shalt  }
0x60: {  	_ =	shalt  }
0x61: {  	_ =	shalt  }
0x62: {  	_ =	shalt  }
0x63: {  	_ =	shalt  }
0x64: {  	_ =	shalt  }
0x65: {  	_ =	shalt  }
0x66: {  	_ =	shalt  }
0x67: {  	_ =	shalt  }
0x68: {  	_ =	shalt  }
0x69: {  	_ =	shalt  }
0x6a: {  	_ =	shalt  }
0x6b: {  	_ =	shalt  }
0x6c: {  	_ =	shalt  }
0x6d: {  	_ =	shalt  }
0x6e: {  	_ =	shalt  }
0x6f: {  	_ =	shalt  }
0x70: {  	_ =	shalt  }
0x71: {  	_ =	shalt  }
0x72: {  	_ =	shalt  }
0x73: {  	_ =	shalt  }
0x74: {  	_ =	shalt  }
0x75: {  	_ =	shalt  }
0x76: {  	_ =	shalt  }
0x77: {  	_ =	shalt  }
0x78: {  	_ =	shalt  }
0x79: {  	_ =	shalt  }
0x7a: {  	_ =	shalt  }
0x7b: {  	_ =	shalt  }
0x7c: {  	_ =	shalt  }
0x7d: {  	_ =	shalt  }
0x7e: {  	_ =	shalt  }
0x7f: {  	_ =	shalt  }
0x80: {  	_ =	shalt  }
0x81: {  	_ =	shalt  }
0x82: {  	_ =	shalt  }
0x83: {  	_ =	shalt  }
0x84: {  	_ =	shalt  }
0x85: {  	_ =	shalt  }
0x86: {  	_ =	shalt  }
0x87: {  	_ =	shalt  }
.Lfunc_end0:
.L_simem_size_0:
called_computation_lowered:
.L_overlay_start_0:
0x88: {  	s2 =	sld [smem:$0x3FD9]  }
0x89: {  	s3 =	sld [smem:$0x3FFE];
	_ =	sdelay $0x1  }
0x8a: {  	s1 =	srdreg.scid  }
0x8b: {  	s0 =	sand.u32 $0x1, s1  }
0x8c: {  	s14 =	sshll.u32 s0, $0xA;
	s2 =	sadd.s32 s3, s2  }
0x8d: {  	s2 =	sadd.s32 s2, s14  }
0x8e: {  	[smem:$0x3FB8] =	sst s2  }
0x8f: {  	_ = 	snop  }
0x90: {  	s2 =	sld [smem:$0x3FD0];
	_ =	sdelay $0x2  }
0x91: {  	s15 =	simm.s32 $0xA;
	s4 =	simm.s32 $0x10  }
0x92: {  	[smem:s4], [sflag:s15] =	dma.local [hbm:s2], $0x1  }
0x93: {  	_ =	swait.eq [sflag:s15], $0x1  }
0x94: {  	[sflag:s15] =	ssyncset.done $0x0  }
0x95: {  	[sflag:s15] =	ssyncadd.s32 $0xFFFFFFFF  }
0x96: {  	s16 =	sld [smem:$0x11];
	(tm) =	ssettm $0x1  }
0x97: {  	s17 =	sld [smem:$0x3FFB];
	_ =	sdelay $0x3  }
0x98: {  	_ =	strace s17  }
0x99: {  	s3 =	sld [smem:$0x3FFC];
	_ =	sdelay $0x3  }
0x9a: {  	_ =	strace s3  }
0x9b: {  	s3 =	sld [smem:$0x3FFD];
	_ =	sdelay $0x3  }
0x9c: {  	_ =	strace s3  }
0x9d: {  	_ =	strace $0x8FFFFFFF  }
0x9e: {  	s18 =	sld [smem:$0x3FDB];
	_ =	sdelay $0x1  }
0x9f: {  	s19 =	simm.s32 $_scs_section_size  }
0xa0: {  	s5 =	simm.s32 $_size__tile_overlayer_lowered;
	s6 =	simm.s32 $_tile_overlayer_lowered  }
0xa1: {  	s22 =	simm.s32 $0x1BFF;
	s21 =	sshll.u32 s6, $0x1;
	s3 =	sadd.s32 s19, s18  }
0xa2: {  	s7 =	simm.s32 $0x0;
	s20 =	sshll.u32 s5, $0x1;
	s5 =	sadd.s32 s21, s3  }
0xa3: {  	[timem:s7], [sflag:s22] =	dma.local [hbm:s5], s20  }
0xa4: {  	_ =	swait.ge [sflag:s22], s20  }
0xa5: {  	s4 =	ssub.s32 $0x0, s20;
	[sflag:s22] =	ssyncset.done $0x0  }
0xa6: {  	[sflag:s22] =	ssyncadd.s32 s4;
	_ =	sdelay $0x1  }
0xa7: {  	s23 =	simm.s32 $0x1B8B  }
0xa8: {  	_ =	swait.ge [sflag:s23], $0x1  }
0xa9: {  	[sflag:s23] =	ssyncset.done $0x0  }
0xaa: {  	s25 =	simm.s32 $0x1B8E;
	s24 =	sld [smem:$0x3FFE];
	[sflag:s23] =	ssyncadd.s32 $0xFFFFFFFF  }
0xab: {  	s26 =	simm.s32 $execute0_lowered;
	[smem:$0x3FD2] =	sst s25  }
0xac: {  	s5 =	sshll.u32 s26, $0x1;
	_ =	strace $0x80000046;
	[dreg:$0x1] =	wrdreg $0xFFFFFFFF  }
0xad: {  	s28 =	simm.s32 $_size_execute0_lowered;
	s3 =	sadd.s32 s3, s5;
	[dreg:$0x0] =	wrdreg $0x0  }
0xae: {  	s5 =	sshll.u32 s28, $0x1;
	[dreg:$0x2] =	wrdreg s3  }
0xaf: {  	[dreg:$0x3] =	wrdreg s5  }
0xb0: {  	[dreg:$0x4] =	wrdreg $0xC0  }
0xb1: {  	_ =	task [dreg:s7], $0x5FFFF  }
0xb2: {  	[dreg:$0x1] =	wrdreg $0xFFFFFFFF  }
0xb3: {  	[dreg:$0x0] =	wrdreg $0x60  }
0xb4: {  	[dreg:$0x2] =	wrdreg s24  }
0xb5: {  	[dreg:$0x3] =	wrdreg s16  }
0xb6: {  	[dreg:$0x4] =	wrdreg $0x0  }
0xb7: {  	[dreg:$0x5] =	wrdreg $0x9  }
0xb8: {  	_ =	task.clear_ibuf [dreg:s7], $0x6FFFF;
	_ =	strace $0x90000046  }
0xb9: {  	s29 =	simm.s32 $0x9;
	_ =	strace $0x8000004F  }
0xba: {  	_ =	swait.ge [sflag:s29], $0x1  }
0xbb: {  	[sflag:s29] =	ssyncadd.s32 $0xFFFFFFFF  }
0xbc: {  	_ =	strace $0x9000004F  }
0xbd: {  	_ =	sfence  }
0xbe: {  	s30 =	sld [smem:$0x0];
	_ =	sdelay $0x2  }
0xbf: {  	s31 =	sshll.u32 s1, $0xD;
	s1 =	sshrl.u32 s1, $0x2  }
0xc0: {  	s3 =	sand.u32 $0x4000, s31;
	s1 =	sadd.s32 s1, s30  }
0xc1: {  	s0 =	sor.u32 s3, s0;
	s1 =	sshll.u32 s1, $0x11  }
0xc2: {  	s0 =	sor.u32 s1, s0  }
0xc3: {  	s0 =	sadd.s32 $0x8F2B, s0  }
0xc4: {  	[sflag:s0] =	ssyncadd.remote.s32 $0x1  }
0xc5: {  	_ =	sfence.sel $0xFFFF  }
0xc6: {  	[dreg:$0x0] =	wrdreg $0xFFFFFFFF;
	(pc) =	sbr.abs _section_cstart, $3  }
0xc7: {  	[dreg:$0x1] =	wrdreg $0xFFFFFFFF  }
0xc8: {  	_ =	task.clear_ibuf [dreg:s7], $0x2FFFF;
	_ =	strace $0x9FFFFFFF  }
0xc9: {  	(tm) =	ssettm $0x7FFFFFFF  }
tec
execute0_lowered:
.L_overlay_start_1:
0x0: {  	(tag) =	ssettag $0x1  }
0x1: {  	s0 =	rddreg [dreg:$0x0]  }
0x2: {  	s2 =	rddreg [dreg:$0x1]  }
0x3: {  	s3 =	rddreg [dreg:$0x2];
	s4 =	simm.s32 $0x0;
	s10 =	stileid.u32  }
0x4: {  	s5 =	srdreg.scid;
	s16 =	simm.s32 $0x80;
	s17 =	simm.s32 $0x14100  }
0x5: {  	s18 =	simm.s32 $0x5;
	s19 =	simm.s32 $0x1;
	s20 =	simm.s32 $0x4  }
0x6: {  	s21 =	simm.s32 $0x0;
	[smem:$0x7FF] =	sst s4;
	s1 =	smul.u32 $0x2800, s10  }
0x7: {  	s6 =	sand.u32 $0x1, s5;
	s7 =	smul.u32 $0x50000, s10;
	s5 =	sadd.s32 $0x2AA00, s0  }
0x8: {  	s30 =	sshll.u32 s10, $0x6;
	_ =	strace $0x80000047;
	s29 =	ssub.s32 $0x2, s6  }
0x9: {  	s6 =	sshll.u32 s6, $0x4;
	s1 =	sadd.s32 s1, s0;
	s8 =	sshrl.u32 s29, $0x1  }
0xa: {  	s7 =	sshrl.u32 s7, $0x2;
	s6 =	sor.u32 s10, s6;
	s0 =	ssub.s32 s29, s8  }
0xb: {  	s7 =	sadd.s32 s7, s3;
	s9 =	smul.u32 $0x280, s6;
	s1 =	sadd.s32 $0x2A00, s1  }
0xc: {  	s12 =	smul.u32 $0x14000, s6;
	[dreg:$0x4] =	wrdreg s1;
	s1 =	sor.u32 $0x1C01, s30  }
0xd: {  	s0 =	smax.u32 s0, $0x1;
	[dreg:$0x5] =	wrdreg s1;
	s9 =	sadd.s32 s2, s9  }
0xe: {  	s8 =	smul.u32 $0x28, s6;
	[dreg:$0x6] =	wrdreg s0;
	s31 =	sadd.s32 $0x10, s9  }
0xf: {  	s13 =	sshrl.u32 s7, $0x3;
	s12 =	sadd.s32 s5, s12;
	[dreg:$0x7] =	wrdreg s31  }
.LBB2_1:
0x10: {  	s0 =	rddreg [dreg:$0x4]  }
0x11: {  	s1 =	rddreg [dreg:$0x5]  }
0x12: {  	[spmem:s13], [sflag:s1] =	dma.local [hbm:s0], $0x2800  }
0x13: {  	_ =	swait.ge [sflag:s19], $0x2800  }
0x14: {  	[sflag:s19] =	ssyncset.done $0x0  }
0x15: {  	[sflag:s19] =	ssyncadd.s32 $0xFFFFD800  }
0x16: {  	[bflag:$0x0] =	sbarrier.arrive $0xFFFF  }
0x17: {  	s10 =	simm.s32 $0x14000;
	_ =	strace $0x80000048  }
0x18: {  	[tilespmem:s10], [sflag:$0x1] =	stream.linear.gather [hbm4b:s9+s4], $0x80, $0x200038;
	[tilespmem:$0x1C100] =	vst v63  }
0x19: {  	_ =	strace $0x90000048  }
0x1a: {  	_ =	strace $0x80000049  }
0x1b: {  	s6 =	simm.s32 $0x14080;
	s11 =	rddreg [dreg:$0x7]  }
0x1c: {  	[tilespmem:s6], [sflag:$0x2] =	stream.linear.gather [hbm4b:s11+s4], $0x80, $0x200038;
	[tilespmem:$0x1C100] =	vst v63  }
0x1d: {  	_ =	strace $0x90000049  }
0x1e: {  	_ =	strace $0x8000004A  }
0x1f: {  	_ =	swait.ge [sflag:s19], $0x80  }
0x20: {  	[sflag:s19] =	ssyncset.done $0x0  }
0x21: {  	p0 =	por $0x0, $0x0;
	s7 =	simm.s32 $0x80;
	[sflag:s19] =	ssyncadd.s32 $0xFFFFFF80  }
0x22: {  	s23 =	simm.s32 $0x1;
	s24 =	sand.u32 $0x1, s19;
	_ =	strace $0x9000004A  }
0x23: {  	s1 =	simm.s32 $0x2;
	s0 =	simm.s32 $0x2;
	_ =	strace $0x8000004B  }
0x24: {  	[tilespmem:s17], [sflag:$0x5] =	stream.indirect.gather [spmem:s3], $0x80, s10, s16, $0x2000b8;
	[tilespmem:$0x1C100] =	vst v63  }
0x25: {  	s22 =	sand.u32 $0x80, s7;
	s1 =	simm.s32 @p0 $0x0;
	_ =	swait.ge [sflag:s18], $0x4000  }
0x26: {  	s7 =	sadd.s32 $0x1, s8;
	p0 =	seq.s32 s1, $0x1;
	[sflag:s18] =	ssyncset.done $0x0  }
0x27: {  	s25 =	sshll.u32 s24, $0xE;
	s0 =	sand.u32 @!p0 $0x1, s0;
	[sflag:s18] =	ssyncadd.s32 $0xFFFFC000  }
0x28: {  	s15 =	simm.s32 @!p0 $0x0;
	s6 =	sadd.s32 @!p0 s8, s1;
	_ =	strace $0x9000004B  }
0x29: {  	s14 =	sshll.u32 @!p0 s0, $0x7;
	s6 =	sshll.u32 @!p0 s6, $0x4;
	_ =	strace $0x8000004C  }
0x2a: {  	[hbm4b:s12+s4] =	stream.linear.scatter [tilespmem:s17], [sflag:$0x3], $0x4000, $0x200038;
	[tilespmem:$0x1C100] =	vst v63  }
0x2b: {  	s0 =	sadd.s32 @!p0 $0x1, s0;
	s6 =	sand.u32 @!p0 $0x1FFFFFF0, s6;
	_ =	strace $0x9000004C  }
0x2c: {  	s14 =	sor.u32 @!p0 $0x14000, s14;
	s6 =	sadd.s32 @!p0 s2, s6;
	_ =	strace @!p0 $0x80000049  }
0x2d: {  	[tilespmem:s14], [sflag:s0] =	stream.linear.gather @!p0 [hbm4b:s6+s15], $0x80, $0x200038;
	[tilespmem:$0x1C100] =	vst v63  }
0x2e: {  	p1 =	sne.s32 s1, $0x1;
	s14 =	sand.u32 $0x1, s19;
	_ =	strace @!p0 $0x90000049  }
0x2f: {  	s7 =	sshll.u32 @!p0 s7, $0xB;
	s0 =	sadd.s32 $0x1, s14;
	_ =	strace $0x8000004A  }
0x30: {  	s6 =	sor.u32 $0x14000, s22;
	s14 =	simm.s32 $0x1;
	_ =	swait.ge [sflag:s0], $0x80  }
0x31: {  	s22 =	simm.s32 $0x2;
	s14 =	simm.s32 @!p1 $0x0;
	[sflag:s0] =	ssyncset.done $0x0  }
0x32: {  	[sflag:s0] =	ssyncadd.s32 $0xFFFFFF80;
	s0 =	sadd.s32 $0x14100, s25;
	s25 =	sadd.s32 $0x1, s14  }
0x33: {  	s29 =	sadd.s32 $0x2, s14;
	_ =	strace $0x9000004A;
	s26 =	sshll.u32 s25, $0x7  }
0x34: {  	s14 =	sand.u32 $0x1, s25;
	s30 =	smov.u32 s25;
	_ =	strace $0x8000004B  }
0x35: {  	[tilespmem:s0], [sflag:$0x5] =	stream.indirect.gather [spmem:s3], $0x80, s6, s16, $0x2000b8;
	[tilespmem:$0x1C100] =	vst v63  }
0x36: {  	s28 =	sand.u32 $0x80, s26;
	s6 =	sand.u32 @!p0 $0x1FFFF800, s7;
	_ =	swait.ge [sflag:s18], $0x4000  }
0x37: {  	s7 =	sadd.s32 @!p0 $0x3, s24;
	s24 =	sadd.s32 $0x1, s1;
	[sflag:s18] =	ssyncset.done $0x0  }
0x38: {  	s26 =	sand.u32 $0x1, s4;
	p1 =	seq.s32 s24, $0x28;
	[sflag:s18] =	ssyncadd.s32 $0xFFFFC000  }
0x39: {  	s31 =	sadd.s32 $0x1, s14;
	s24 =	simm.s32 @p1 $0x0;
	_ =	strace $0x9000004B  }
0x3a: {  	s6 =	sadd.s32 @!p0 s5, s6;
	p1 =	sne.s32 s1, s24;
	_ =	strace @!p0 $0x8000004C  }
0x3b: {  	[hbm4b:s6+s15] =	stream.linear.scatter @!p0 [tilespmem:s0], [sflag:s7], $0x4000, $0x200038;
	[tilespmem:$0x1C100] =	vst v63  }
0x3c: {  	s0 =	sadd.s32 s8, s1;
	s7 =	sadd.s32 $0x3, s26;
	_ =	strace @!p0 $0x9000004C  }
0x3d: {  	s26 =	smov.u32 s25;
	p0 =	seq.s32 s1, s24;
	_ =	strace $0x8000004D  }
0x3e: {  	s14 =	sand.u32 @!p0 $0x1, s29;
	s1 =	sadd.s32 @!p0 s8, s24;
	_ =	swait.ge [sflag:s7], $0x4000  }
.LBB2_2:
0x3f: {  	s10 =	sshll.u32 @!p0 s1, $0x4;
	s15 =	simm.s32 @!p0 $0x0  }
0x40: {  	[sflag:s7] =	ssyncset.done $0x0;
	s6 =	smov.u32 s23;
	s23 =	smov.u32 s22  }
0x41: {  	s1 =	smov.u32 s24;
	s11 =	sshll.u32 @!p0 s14, $0x7;
	s0 =	sshll.u32 @!p0 s0, $0xB  }
0x42: {  	s10 =	sand.u32 @!p0 $0x1FFFFFF0, s10;
	[sflag:s7] =	ssyncadd.s32 $0xFFFFC000;
	s7 =	sor.u32 @!p0 $0x14000, s11  }
0x43: {  	s11 =	sadd.s32 @!p0 $0x1, s14;
	s14 =	simm.s32 $0x1;
	s10 =	sadd.s32 @!p0 s2, s10  }
0x44: {  	s14 =	simm.s32 @!p1 $0x0;
	_ =	strace $0x9000004D  }
0x45: {  	s0 =	sand.u32 @!p0 $0x1FFFF800, s0;
	s29 =	sadd.s32 s14, s29;
	_ =	strace @!p0 $0x80000049  }
0x46: {  	[tilespmem:s7], [sflag:s11] =	stream.linear.gather @!p0 [hbm4b:s10+s15], $0x80, $0x200038;
	[tilespmem:$0x1C100] =	vst v63  }
0x47: {  	s25 =	sadd.s32 s14, s25;
	s10 =	sadd.s32 @!p0 s5, s0;
	_ =	strace @!p0 $0x90000049  }
0x48: {  	s26 =	sadd.s32 s14, s26;
	s7 =	sand.u32 $0x1, s30;
	_ =	strace $0x8000004A  }
0x49: {  	s11 =	sand.u32 $0x1, s26;
	s0 =	sshll.u32 s26, $0x7;
	_ =	swait.ge [sflag:s31], $0x80  }
0x4a: {  	s0 =	sand.u32 $0x80, s0;
	s14 =	sshll.u32 s7, $0xE;
	[sflag:s31] =	ssyncset.done $0x0  }
0x4b: {  	s14 =	sadd.s32 $0x14100, s14;
	[sflag:s31] =	ssyncadd.s32 $0xFFFFFF80;
	s31 =	sor.u32 $0x14000, s28  }
0x4c: {  	s22 =	sadd.s32 $0x1, s22;
	s30 =	smov.u32 s25;
	_ =	strace $0x9000004A  }
0x4d: {  	p2 =	sne.s32 s22, $0x26;
	s28 =	smov.u32 s0;
	_ =	strace $0x8000004B  }
0x4e: {  	[tilespmem:s14], [sflag:$0x5] =	stream.indirect.gather [spmem:s3], $0x80, s31, s16, $0x2000b8;
	[tilespmem:$0x1C100] =	vst v63  }
0x4f: {  	_ =	swait.ge [sflag:s18], $0x4000  }
0x50: {  	s0 =	sadd.s32 s8, s24;
	[sflag:s18] =	ssyncset.done $0x0  }
0x51: {  	s24 =	sadd.s32 $0x1, s24;
	s31 =	sadd.s32 @!p0 $0x3, s7;
	[sflag:s18] =	ssyncadd.s32 $0xFFFFC000  }
0x52: {  	s6 =	sand.u32 $0x1, s6;
	p1 =	seq.s32 s24, $0x28;
	_ =	strace $0x9000004B  }
.Ltmp0:
0x53: {  	s7 =	sadd.s32 $0x3, s6;
	_ =	strace @!p0 $0x8000004C;
	(pc) =	sbr.rel @p2 .LBB2_2-.Ltmp0, $4  }
0x54: {  	[hbm4b:s10+s15] =	stream.linear.scatter @!p0 [tilespmem:s14], [sflag:s31], $0x4000, $0x200038;
	[tilespmem:$0x1C100] =	vst v63  }
0x55: {  	s24 =	simm.s32 @p1 $0x0;
	s31 =	sadd.s32 $0x1, s11;
	_ =	strace @!p0 $0x9000004C  }
0x56: {  	p1 =	sne.s32 s1, s24;
	p0 =	seq.s32 s1, s24;
	_ =	strace $0x8000004D  }
0x57: {  	s14 =	sand.u32 @!p0 $0x1, s29;
	s1 =	sadd.s32 @!p0 s8, s24;
	_ =	swait.ge [sflag:s7], $0x4000  }
0x58: {  	s1 =	sshll.u32 @!p0 s1, $0x4;
	[sflag:s7] =	ssyncset.done $0x0  }
0x59: {  	s6 =	sshll.u32 @!p0 s14, $0x7;
	s10 =	sadd.s32 @!p0 $0x1, s14;
	[sflag:s7] =	ssyncadd.s32 $0xFFFFC000  }
0x5a: {  	s1 =	sand.u32 @!p0 $0x1FFFFFF0, s1;
	s7 =	simm.s32 @!p0 $0x0;
	_ =	strace $0x9000004D  }
0x5b: {  	s6 =	sor.u32 @!p0 $0x14000, s6;
	s1 =	sadd.s32 @!p0 s2, s1;
	_ =	strace @!p0 $0x80000049  }
0x5c: {  	[tilespmem:s6], [sflag:s10] =	stream.linear.gather @!p0 [hbm4b:s1+s7], $0x80, $0x200038;
	[tilespmem:$0x1C100] =	vst v63  }
0x5d: {  	_ =	strace @!p0 $0x90000049  }
0x5e: {  	_ =	strace $0x8000004A  }
0x5f: {  	_ =	swait.ge [sflag:s31], $0x80  }
0x60: {  	[sflag:s31] =	ssyncset.done $0x0  }
0x61: {  	s1 =	sand.u32 $0x1, s30;
	[sflag:s31] =	ssyncadd.s32 $0xFFFFFF80  }
0x62: {  	s10 =	sshll.u32 s1, $0xE;
	_ =	strace $0x9000004A  }
0x63: {  	s11 =	sor.u32 $0x14000, s28;
	s6 =	sadd.s32 $0x14100, s10;
	_ =	strace $0x8000004B  }
0x64: {  	[tilespmem:s6], [sflag:$0x5] =	stream.indirect.gather [spmem:s3], $0x80, s11, s16, $0x2000b8;
	[tilespmem:$0x1C100] =	vst v63  }
0x65: {  	_ =	swait.ge [sflag:s18], $0x4000  }
0x66: {  	[sflag:s18] =	ssyncset.done $0x0  }
0x67: {  	s0 =	sshll.u32 @!p0 s0, $0xB;
	[sflag:s18] =	ssyncadd.s32 $0xFFFFC000  }
0x68: {  	s0 =	sand.u32 @!p0 $0x1FFFF800, s0;
	_ =	strace $0x9000004B  }
0x69: {  	s0 =	sadd.s32 @!p0 s5, s0;
	s1 =	sadd.s32 @!p0 $0x3, s1;
	_ =	strace @!p0 $0x8000004C  }
0x6a: {  	[hbm4b:s0+s7] =	stream.linear.scatter @!p0 [tilespmem:s6], [sflag:s1], $0x4000, $0x200038;
	[tilespmem:$0x1C100] =	vst v63  }
0x6b: {  	s14 =	sand.u32 $0x1, s23;
	_ =	strace @!p0 $0x9000004C  }
0x6c: {  	s0 =	sadd.s32 $0x3, s14;
	_ =	strace $0x8000004D  }
0x6d: {  	s1 =	simm.s32 $0x1;
	_ =	swait.ge [sflag:s0], $0x4000  }
0x6e: {  	s1 =	simm.s32 @!p1 $0x0;
	[sflag:s0] =	ssyncset.done $0x0  }
0x6f: {  	s15 =	sadd.s32 s1, s26;
	[sflag:s0] =	ssyncadd.s32 $0xFFFFC000  }
0x70: {  	s23 =	sand.u32 $0x1, s15;
	_ =	strace $0x9000004D  }
0x71: {  	s0 =	sadd.s32 $0x1, s23;
	_ =	strace $0x8000004A  }
0x72: {  	_ =	swait.ge [sflag:s0], $0x80  }
0x73: {  	s1 =	sadd.s32 s1, s25;
	[sflag:s0] =	ssyncset.done $0x0  }
0x74: {  	s25 =	sand.u32 $0x1, s1;
	s26 =	sshll.u32 s15, $0x7;
	[sflag:s0] =	ssyncadd.s32 $0xFFFFFF80  }
0x75: {  	s28 =	sshll.u32 s25, $0xE;
	s1 =	sand.u32 $0x80, s26;
	_ =	strace $0x9000004A  }
0x76: {  	s6 =	sadd.s32 $0x14100, s28;
	s1 =	sor.u32 $0x14000, s1;
	_ =	strace $0x8000004B  }
0x77: {  	[tilespmem:s6], [sflag:$0x5] =	stream.indirect.gather [spmem:s3], $0x80, s1, s16, $0x2000b8;
	[tilespmem:$0x1C100] =	vst v63  }
0x78: {  	_ =	swait.ge [sflag:s18], $0x4000  }
0x79: {  	s29 =	sadd.s32 s8, s24;
	[sflag:s18] =	ssyncset.done $0x0  }
0x7a: {  	s1 =	sshll.u32 s29, $0xB;
	[sflag:s18] =	ssyncadd.s32 $0xFFFFC000  }
0x7b: {  	s1 =	sand.u32 $0x1FFFF800, s1;
	_ =	strace $0x9000004B  }
0x7c: {  	s0 =	sadd.s32 $0x3, s25;
	s1 =	sadd.s32 s5, s1;
	_ =	strace $0x8000004C  }
0x7d: {  	[hbm4b:s1+s4] =	stream.linear.scatter [tilespmem:s6], [sflag:s0], $0x4000, $0x200038;
	[tilespmem:$0x1C100] =	vst v63  }
0x7e: {  	s30 =	sand.u32 $0x1, s22;
	_ =	strace $0x9000004C  }
0x7f: {  	s0 =	sadd.s32 $0x3, s30;
	_ =	strace $0x8000004D  }
0x80: {  	_ =	swait.ge [sflag:s0], $0x4000  }
0x81: {  	[sflag:s0] =	ssyncset.done $0x0  }
0x82: {  	[sflag:s0] =	ssyncadd.s32 $0xFFFFC000  }
0x83: {  	_ =	strace $0x9000004D  }
0x84: {  	_ =	strace $0x8000004E  }
0x85: {  	_ =	swait.ge [sflag:s20], $0x4000  }
0x86: {  	s21 =	sadd.s32 $0x1, s21;
	s31 =	rddreg [dreg:$0x6]  }
0x87: {  	p0 =	sne.s32 s21, s31  }
.Ltmp1:
0x88: {  	_ = 	snop;
	(pc) =	sbr.rel @p0 .LBB2_1-.Ltmp1, $4  }
0x89: {  	_ = 	snop  }
0x8a: {  	[sflag:s20] =	ssyncset.done $0x0  }
0x8b: {  	[sflag:s20] =	ssyncadd.s32 $0xFFFFC000  }
0x8c: {  	_ =	strace $0x9000004E  }
0x8d: {  	_ =	sfence.sel $0x180000  }
0x8e: {  	[bflag:$0x0] =	sbarrier.arrive $0xFFFF  }
0x8f: {  	_ =	strace $0x90000047  }
0x90: {  	s0 =	stileid.u32;
	[bflag:$0x2] =	sbarrier.arrive $0xFFFF  }
0x91: {  	p0 =	sne.s32 s0, $0x0;
	s0 =	rddreg [dreg:$0x3]  }
0x92: {  	s0 =	sadd.s32 @!p0 $0x100000, s0  }
0x93: {  	[sflag:s0] =	ssyncadd.tile.s32 @!p0 $0x1;
	_ =	shalt  }
.Lfunc_end2:
_tile_overlayer_lowered:
.L_overlay_start_2:
0x94: {  	(tag) =	ssettag $0x2  }
0x95: {  	s0 =	rddreg [dreg:$0x0];
	s2 =	stileid.u32  }
0x96: {  	s1 =	rddreg [dreg:$0x1];
	p0 =	sne.s32 s2, $0x0  }
0x97: {  	s3 =	rddreg [dreg:$0x2];
	[bflag:$0x3] =	sbarrier.arrive $0xFFFF;
	s2 =	simm.s32 @!p0 $0x1C01  }
0x98: {  	[timem:s3], [sflag:s2] =	dma.local @!p0 [hbm:s0], s1  }
0x99: {  	s0 =	simm.s32 @!p0 $0x1  }
0x9a: {  	_ =	swait.ge @!p0 [sflag:s0], s1  }
0x9b: {  	s1 =	ssub.s32 @!p0 $0x0, s1;
	[sflag:s0] =	ssyncset.done @!p0 $0x0  }
0x9c: {  	[sflag:s0] =	ssyncadd.s32 @!p0 s1  }
0x9d: {  	[bflag:$0x3] =	sbarrier.arrive $0xFFFF  }
0x9e: {  	_ =	shalt  }

// kernel: kernel.9.cloned.1.call-start
scs
__scs_entry_jumppad:
0x0: {  	(pc) =	sbr.rel $0x88, $3  }
0x1: {  	(tag) =	ssettag $0x0;
	lr =	simm.s32 $0x1  }
0x2: {  	[smem:$0x3F91] =	sst lr;
	_ =	strace $0xD0000000  }
0x3: {  	_ = 	snop  }
0x4: {  	_ = 	snop  }
0x5: {  	_ = 	snop  }
0x6: {  	_ = 	snop  }
0x7: {  	_ = 	snop  }
__scs_overlays_trampoline_lowered:
0x8: {  	[smem:$0x3FA0] =	sst s0  }
0x9: {  	[smem:$0x3FA1] =	sst s1  }
0xa: {  	[smem:$0x3FA2] =	sst s2  }
0xb: {  	[smem:$0x3FA3] =	sst s3  }
0xc: {  	[smem:$0x3FA4] =	sst s4  }
0xd: {  	[smem:$0x3FA5] =	sst s5  }
0xe: {  	[smem:$0x3FA6] =	sst s6  }
0xf: {  	[smem:$0x3FA7] =	sst s7  }
0x10: {  	[smem:$0x3FA8] =	sst s8  }
0x11: {  	[smem:$0x3FA9] =	sst s9;
	s0 =	simm.s32 @!p0 $0x0  }
0x12: {  	s1 =	sld [smem:$0x3F8F];
	s0 =	simm.s32 @p0 $0x1  }
0x13: {  	[smem:$0x3FAA] =	sst s0;
	s0 =	simm.s32 @!p1 $0x0  }
0x14: {  	s2 =	sld [smem:$0x3F8E];
	s0 =	simm.s32 @p1 $0x1  }
0x15: {  	[smem:$0x3FAB] =	sst s0;
	s0 =	simm.s32 @!p2 $0x0  }
0x16: {  	s3 =	sld [smem:$0x3FDB];
	s0 =	simm.s32 @p2 $0x1  }
0x17: {  	s4 =	simm.s32 $0x1BF5;
	[smem:$0x3FAD] =	sst s0  }
0x18: {  	s0 =	sld [smem:$0x3F90];
	_ =	swait.ge [sflag:s4], $0x0  }
0x19: {  	s7 =	sld [smem:$0x3F91]  }
0x1a: {  	s8 =	sadd.s32 $0xFFFFE003, lr  }
0x1b: {  	s9 =	sadd.s32 $0xFFFFFEF7, lr;
	s5 =	simm.s32 $0xFFFFFFFF;
	p2 =	slt.u32 s8, $0xFFFFF086  }
0x1c: {  	p1 =	slt.u32 s9, $0xF7A;
	s5 =	simm.s32 @!p2 $0x0  }
0x1d: {  	s5 =	simm.s32 @p1 $0x1;
	p0 =	seq.s32 s7, s2  }
0x1e: {  	s7 =	smul.u32 @!p0 $0xF7A, s2;
	p2 =	seq.s32 @!p0 s5, $0x0  }
0x1f: {  	s9 =	smul.u32 $0xF7A, s1;
	s8 =	simm.s32 @!p0 $0x1BF5;
	p2 =	por !p2, p0  }
0x20: {  	[sflag:s8] =	ssyncset.s32 @!p0 $0xFFFFF086;
	s6 =	sadd.s32 @!p0 s3, s7;
	s7 =	simm.s32 @!p0 $0x108  }
0x21: {  	s3 =	sadd.s32 s3, s9;
	s6 =	sadd.s32 @!p0 $0x88, s6;
	s7 =	simm.s32 @p2 $0x1082  }
0x22: {  	[simem:s7], [sflag:s8] =	dma.local @!p0 [hbm:s6], $0xF7A  }
0x23: {  	s9 =	sor.u32 $0xD0000000, s2;
	s6 =	simm.s32 $0x108;
	_ =	swait.ge @!p0 [sflag:s8], $0x0  }
0x24: {  	s3 =	sadd.s32 $0x88, s3;
	s6 =	simm.s32 @!p1 $0x1082;
	[sflag:s4] =	ssyncset.s32 $0xFFFFF086  }
0x25: {  	[simem:s6], [sflag:s4] =	dma.local [hbm:s3], $0xF7A  }
0x26: {  	[smem:$0x3F91] =	sst s1;
	(tag) =	ssettag s2;
	_ =	strace s9  }
0x27: {  	s1 =	sld [smem:$0x3FA1]  }
0x28: {  	s2 =	sld [smem:$0x3FA2]  }
0x29: {  	s4 =	sld [smem:$0x3FA4]  }
0x2a: {  	p0 =	seq.s32 s5, $0x0;
	s5 =	sld [smem:$0x3FA5]  }
0x2b: {  	s6 =	sld [smem:$0x3FA6]  }
0x2c: {  	s7 =	sld [smem:$0x3FA7]  }
0x2d: {  	s3 =	simm.s32 $0x108;
	s8 =	sld [smem:$0x3FA8]  }
0x2e: {  	s3 =	simm.s32 @!p0 $0x1082;
	s9 =	sld [smem:$0x3FA9]  }
0x2f: {  	lr =	sadd.s32 s0, s3;
	s0 =	sld [smem:$0x3FA0]  }
0x30: {  	s3 =	sld [smem:$0x3FA3]  }
0x31: {  	[smem:$0x3FAC] =	sst s10  }
0x32: {  	s10 =	sld [smem:$0x3FAA];
	_ =	sdelay $0x3  }
0x33: {  	p0 =	seq.s32 s10, $0x1;
	s10 =	sld [smem:$0x3FAC];
	_ =	sdelay $0x3  }
0x34: {  	[smem:$0x3FAC] =	sst s10  }
0x35: {  	s10 =	sld [smem:$0x3FAB];
	_ =	sdelay $0x3  }
0x36: {  	p1 =	seq.s32 s10, $0x1;
	s10 =	sld [smem:$0x3FAC];
	_ =	sdelay $0x3  }
0x37: {  	[smem:$0x3FAC] =	sst s10  }
0x38: {  	s10 =	sld [smem:$0x3FAD]  }
0x39: {  	_ = 	snop;
	(pc) =	sbr.ind lr, $3  }
0x3a: {  	_ = 	snop  }
0x3b: {  	_ = 	snop  }
0x3c: {  	p2 =	seq.s32 s10, $0x1;
	s10 =	sld [smem:$0x3FAC]  }
0x3d: {  	_ =	shalt  }
0x3e: {  	_ =	shalt  }
0x3f: {  	_ =	shalt  }
0x40: {  	_ =	shalt  }
0x41: {  	_ =	shalt  }
0x42: {  	_ =	shalt  }
0x43: {  	_ =	shalt  }
0x44: {  	_ =	shalt  }
0x45: {  	_ =	shalt  }
0x46: {  	_ =	shalt  }
0x47: {  	_ =	shalt  }
0x48: {  	_ =	shalt  }
0x49: {  	_ =	shalt  }
0x4a: {  	_ =	shalt  }
0x4b: {  	_ =	shalt  }
0x4c: {  	_ =	shalt  }
0x4d: {  	_ =	shalt  }
0x4e: {  	_ =	shalt  }
0x4f: {  	_ =	shalt  }
0x50: {  	_ =	shalt  }
0x51: {  	_ =	shalt  }
0x52: {  	_ =	shalt  }
0x53: {  	_ =	shalt  }
0x54: {  	_ =	shalt  }
0x55: {  	_ =	shalt  }
0x56: {  	_ =	shalt  }
0x57: {  	_ =	shalt  }
0x58: {  	_ =	shalt  }
0x59: {  	_ =	shalt  }
0x5a: {  	_ =	shalt  }
0x5b: {  	_ =	shalt  }
0x5c: {  	_ =	shalt  }
0x5d: {  	_ =	shalt  }
0x5e: {  	_ =	shalt  }
0x5f: {  	_ =	shalt  }
0x60: {  	_ =	shalt  }
0x61: {  	_ =	shalt  }
0x62: {  	_ =	shalt  }
0x63: {  	_ =	shalt  }
0x64: {  	_ =	shalt  }
0x65: {  	_ =	shalt  }
0x66: {  	_ =	shalt  }
0x67: {  	_ =	shalt  }
0x68: {  	_ =	shalt  }
0x69: {  	_ =	shalt  }
0x6a: {  	_ =	shalt  }
0x6b: {  	_ =	shalt  }
0x6c: {  	_ =	shalt  }
0x6d: {  	_ =	shalt  }
0x6e: {  	_ =	shalt  }
0x6f: {  	_ =	shalt  }
0x70: {  	_ =	shalt  }
0x71: {  	_ =	shalt  }
0x72: {  	_ =	shalt  }
0x73: {  	_ =	shalt  }
0x74: {  	_ =	shalt  }
0x75: {  	_ =	shalt  }
0x76: {  	_ =	shalt  }
0x77: {  	_ =	shalt  }
0x78: {  	_ =	shalt  }
0x79: {  	_ =	shalt  }
0x7a: {  	_ =	shalt  }
0x7b: {  	_ =	shalt  }
0x7c: {  	_ =	shalt  }
0x7d: {  	_ =	shalt  }
0x7e: {  	_ =	shalt  }
0x7f: {  	_ =	shalt  }
0x80: {  	_ =	shalt  }
0x81: {  	_ =	shalt  }
0x82: {  	_ =	shalt  }
0x83: {  	_ =	shalt  }
0x84: {  	_ =	shalt  }
0x85: {  	_ =	shalt  }
0x86: {  	_ =	shalt  }
0x87: {  	_ =	shalt  }
.Lfunc_end0:
.L_simem_size_0:
called_computation.1_lowered:
.L_overlay_start_0:
0x88: {  	s2 =	sld [smem:$0x3FD9]  }
0x89: {  	s3 =	sld [smem:$0x3FFE];
	_ =	sdelay $0x1  }
0x8a: {  	s1 =	srdreg.scid  }
0x8b: {  	s0 =	sand.u32 $0x1, s1  }
0x8c: {  	s14 =	sshll.u32 s0, $0xA;
	s2 =	sadd.s32 s3, s2  }
0x8d: {  	s2 =	sadd.s32 s2, s14  }
0x8e: {  	[smem:$0x3FB8] =	sst s2  }
0x8f: {  	_ = 	snop  }
0x90: {  	s2 =	sld [smem:$0x3FD0];
	_ =	sdelay $0x2  }
0x91: {  	s15 =	simm.s32 $0xA;
	s4 =	simm.s32 $0x10  }
0x92: {  	[smem:s4], [sflag:s15] =	dma.local [hbm:s2], $0x1  }
0x93: {  	_ =	swait.eq [sflag:s15], $0x1  }
0x94: {  	[sflag:s15] =	ssyncset.done $0x0  }
0x95: {  	s16 =	sld [smem:$0x10];
	[sflag:s15] =	ssyncadd.s32 $0xFFFFFFFF  }
0x96: {  	s17 =	sld [smem:$0x11];
	(tm) =	ssettm $0x1  }
0x97: {  	s18 =	sld [smem:$0x3FFB];
	_ =	sdelay $0x3  }
0x98: {  	_ =	strace s18  }
0x99: {  	s4 =	sld [smem:$0x3FFC];
	_ =	sdelay $0x3  }
0x9a: {  	_ =	strace s4  }
0x9b: {  	s4 =	sld [smem:$0x3FFD];
	_ =	sdelay $0x3  }
0x9c: {  	_ =	strace s4  }
0x9d: {  	_ =	strace $0x8FFFFFFF  }
0x9e: {  	s19 =	sld [smem:$0x3FDB];
	_ =	sdelay $0x1  }
0x9f: {  	s5 =	simm.s32 $_scs_section_size  }
0xa0: {  	s6 =	simm.s32 $_size__tile_overlayer_lowered;
	s7 =	simm.s32 $_tile_overlayer_lowered  }
0xa1: {  	s22 =	simm.s32 $0x1BFF;
	s21 =	sshll.u32 s7, $0x1;
	s4 =	sadd.s32 s5, s19  }
0xa2: {  	s8 =	simm.s32 $0x0;
	s20 =	sshll.u32 s6, $0x1;
	s6 =	sadd.s32 s21, s4  }
0xa3: {  	[timem:s8], [sflag:s22] =	dma.local [hbm:s6], s20  }
0xa4: {  	_ =	swait.ge [sflag:s22], s20  }
0xa5: {  	s5 =	ssub.s32 $0x0, s20;
	[sflag:s22] =	ssyncset.done $0x0  }
0xa6: {  	[sflag:s22] =	ssyncadd.s32 s5;
	_ =	sdelay $0x1  }
0xa7: {  	s23 =	simm.s32 $0x1B8B  }
0xa8: {  	_ =	swait.ge [sflag:s23], $0x1  }
0xa9: {  	[sflag:s23] =	ssyncset.done $0x0  }
0xaa: {  	s25 =	simm.s32 $0x1B8E;
	s24 =	sld [smem:$0x3FFE];
	[sflag:s23] =	ssyncadd.s32 $0xFFFFFFFF  }
0xab: {  	s26 =	simm.s32 $execute0_lowered;
	[smem:$0x3FD2] =	sst s25  }
0xac: {  	s6 =	sshll.u32 s26, $0x1;
	_ =	strace $0x80000050;
	[dreg:$0x1] =	wrdreg $0xFFFFFFFF  }
0xad: {  	s28 =	simm.s32 $_size_execute0_lowered;
	s4 =	sadd.s32 s4, s6;
	[dreg:$0x0] =	wrdreg $0x0  }
0xae: {  	s6 =	sshll.u32 s28, $0x1;
	[dreg:$0x2] =	wrdreg s4  }
0xaf: {  	[dreg:$0x3] =	wrdreg s6  }
0xb0: {  	[dreg:$0x4] =	wrdreg $0xC0  }
0xb1: {  	_ =	task [dreg:s8], $0x5FFFF  }
0xb2: {  	[dreg:$0x1] =	wrdreg $0xFFFFFFFF  }
0xb3: {  	[dreg:$0x0] =	wrdreg $0x60  }
0xb4: {  	[dreg:$0x2] =	wrdreg s24  }
0xb5: {  	[dreg:$0x3] =	wrdreg s16  }
0xb6: {  	[dreg:$0x4] =	wrdreg s17  }
0xb7: {  	[dreg:$0x5] =	wrdreg $0x0  }
0xb8: {  	[dreg:$0x6] =	wrdreg $0x9  }
0xb9: {  	_ =	task.clear_ibuf [dreg:s8], $0x7FFFF;
	_ =	strace $0x90000050  }
0xba: {  	s29 =	simm.s32 $0x9;
	_ =	strace $0x80000058  }
0xbb: {  	_ =	swait.ge [sflag:s29], $0x1  }
0xbc: {  	[sflag:s29] =	ssyncadd.s32 $0xFFFFFFFF  }
0xbd: {  	_ =	strace $0x90000058  }
0xbe: {  	_ =	sfence  }
0xbf: {  	s30 =	sld [smem:$0x0];
	_ =	sdelay $0x2  }
0xc0: {  	s31 =	sshll.u32 s1, $0xD;
	s1 =	sshrl.u32 s1, $0x2  }
0xc1: {  	s3 =	sand.u32 $0x4000, s31;
	s1 =	sadd.s32 s1, s30  }
0xc2: {  	s0 =	sor.u32 s3, s0;
	s1 =	sshll.u32 s1, $0x11  }
0xc3: {  	s0 =	sor.u32 s1, s0  }
0xc4: {  	s0 =	sadd.s32 $0x8F2B, s0  }
0xc5: {  	[sflag:s0] =	ssyncadd.remote.s32 $0x1  }
0xc6: {  	_ =	sfence.sel $0xFFFF  }
0xc7: {  	[dreg:$0x0] =	wrdreg $0xFFFFFFFF;
	(pc) =	sbr.abs _section_cstart, $3  }
0xc8: {  	[dreg:$0x1] =	wrdreg $0xFFFFFFFF  }
0xc9: {  	_ =	task.clear_ibuf [dreg:s8], $0x2FFFF;
	_ =	strace $0x9FFFFFFF  }
0xca: {  	(tm) =	ssettm $0x7FFFFFFF  }
0xcb: {  	_ =	shalt  }
tec
execute0_lowered:
.L_overlay_start_1:
0x0: {  	(tag) =	ssettag $0x1  }
0x1: {  	s7 =	rddreg [dreg:$0x0]  }
0x2: {  	s1 =	rddreg [dreg:$0x1]  }
0x3: {  	s4 =	rddreg [dreg:$0x3];
	s5 =	simm.s32 $0x0;
	s6 =	srdreg.scid  }
0x4: {  	s0 =	stileid.u32;
	s16 =	simm.s32 $0x5;
	s17 =	simm.s32 $0x1  }
0x5: {  	s18 =	simm.s32 $0x0;
	s8 =	sand.u32 $0x1, s6;
	s9 =	smul.u32 $0x2800, s0  }
0x6: {  	[smem:$0x7FF] =	sst s5;
	s12 =	smul.u32 $0x50000, s0;
	s11 =	sshll.u32 s8, $0x4  }
0x7: {  	s6 =	sadd.s32 $0x79BA00, s7;
	s10 =	smul.u32 $0x28000, s8;
	s11 =	sor.u32 s0, s11  }
0x8: {  	s14 =	sshll.u32 s0, $0x6;
	s8 =	ssub.s32 $0x2, s8;
	s28 =	smul.u32 $0x28, s11  }
0x9: {  	_ =	strace $0x80000051;
	s29 =	sshrl.u32 s8, $0x1;
	s30 =	smul.u32 $0x14000, s11  }
0xa: {  	s12 =	sshrl.u32 s12, $0x2;
	s9 =	sadd.s32 s9, s10;
	s11 =	smul.u32 $0x280, s11  }
0xb: {  	s15 =	ssub.s32 s8, s29;
	s12 =	sadd.s32 s12, s4;
	s13 =	sadd.s32 s9, s7  }
0xc: {  	s7 =	sor.u32 $0x1C01, s14;
	s12 =	sshrl.u32 s12, $0x3;
	[dreg:$0x5] =	wrdreg s28  }
0xd: {  	s31 =	sadd.s32 s6, s30;
	s9 =	sadd.s32 s1, s11;
	s10 =	sadd.s32 $0x2A00, s13  }
0xe: {  	s11 =	smax.u32 s15, $0x1;
	s15 =	simm.s32 $0x80;
	[dreg:$0x6] =	wrdreg s31  }
.LBB2_1:
0xf: {  	s0 =	rddreg [dreg:$0x2]  }
0x10: {  	[spmem:s12], [sflag:s7] =	dma.local [hbm:s0], $0x2800  }
0x11: {  	_ =	swait.ge [sflag:s17], $0x2800  }
0x12: {  	[sflag:s17] =	ssyncset.done $0x0  }
0x13: {  	[sflag:s17] =	ssyncadd.s32 $0xFFFFD800  }
0x14: {  	[bflag:$0x0] =	sbarrier.arrive $0xFFFF  }
0x15: {  	s2 =	simm.s32 $0x14000;
	_ =	strace $0x80000052  }
0x16: {  	s19 =	simm.s32 $0x1;
	p0 =	por $0x0, $0x0;
	s25 =	rddreg [dreg:$0x6]  }
0x17: {  	[tilespmem:s2], [sflag:$0x1] =	stream.linear.gather [hbm4b:s25+s5], $0x4000, $0x200038;
	[tilespmem:$0x1C100] =	vst v63  }
0x18: {  	s26 =	simm.s32 $0x1C000;
	s19 =	simm.s32 @p0 $0x0  }
0x19: {  	[tilespmem:s26], [sflag:$0x3] =	stream.linear.gather [hbm4b:s9+s5], $0x80, $0x200038;
	[tilespmem:$0x1C100] =	vst v63  }
0x1a: {  	p0 =	seq.s32 s19, $0x0;
	_ =	strace $0x90000052  }
0x1b: {  	s21 =	sand.u32 @!p0 $0x1, s17;
	s20 =	rddreg [dreg:$0x5]  }
0x1c: {  	s22 =	sshll.u32 @!p0 s21, $0xE;
	s20 =	sadd.s32 @!p0 s20, s19  }
0x1d: {  	s23 =	sshll.u32 @!p0 s21, $0x7;
	s22 =	sadd.s32 @!p0 $0x14000, s22;
	s24 =	sshll.u32 @!p0 s20, $0xB  }
0x1e: {  	s25 =	simm.s32 @!p0 $0x0;
	s26 =	sadd.s32 @!p0 $0x1, s21;
	s24 =	sand.u32 @!p0 $0x1FFFF800, s24  }
0x1f: {  	_ =	strace @!p0 $0x80000053;
	s20 =	sshll.u32 @!p0 s20, $0x4;
	s24 =	sadd.s32 @!p0 s6, s24  }
0x20: {  	[tilespmem:s22], [sflag:s26] =	stream.linear.gather @!p0 [hbm4b:s24+s25], $0x4000, $0x200038;
	[tilespmem:$0x1C100] =	vst v63  }
0x21: {  	s21 =	sadd.s32 @!p0 $0x3, s21;
	s20 =	sand.u32 @!p0 $0x1FFFFFF0, s20;
	_ =	strace @!p0 $0x90000053  }
0x22: {  	s20 =	sadd.s32 @!p0 s1, s20;
	s22 =	sor.u32 @!p0 $0x1C000, s23;
	_ =	strace @!p0 $0x80000054  }
0x23: {  	[tilespmem:s22], [sflag:s21] =	stream.linear.gather @!p0 [hbm4b:s20+s25], $0x80, $0x200038;
	[tilespmem:$0x1C100] =	vst v63  }
0x24: {  	s31 =	sand.u32 $0x1, s5;
	_ =	strace @!p0 $0x90000054  }
0x25: {  	s3 =	simm.s32 $0x0;
	s0 =	sadd.s32 $0x1, s31;
	_ =	strace $0x80000055  }
0x26: {  	s8 =	sadd.s32 $0x3, s31;
	p1 =	sne.s32 s19, $0x0;
	_ =	swait.ge [sflag:s0], $0x4000  }
0x27: {  	s29 =	smov.u32 s19;
	s30 =	simm.s32 @!p0 $0x2;
	[sflag:s0] =	ssyncset.done $0x0  }
0x28: {  	s30 =	smov.u32 @p0 s17;
	s2 =	simm.s32 $0x0;
	[sflag:s0] =	ssyncadd.s32 $0xFFFFC000  }
0x29: {  	s23 =	sand.u32 $0x80, s3;
	s26 =	simm.s32 $0x25;
	_ =	strace $0x90000055  }
0x2a: {  	s14 =	sor.u32 $0x1C000, s23;
	s22 =	sand.u32 $0x4000, s2;
	_ =	strace $0x80000056  }
0x2b: {  	s21 =	simm.s32 @!p0 $0x1;
	s20 =	simm.s32 $0x1;
	_ =	swait.ge [sflag:s8], $0x80  }
0x2c: {  	s21 =	simm.s32 @p0 $0x0;
	s20 =	simm.s32 @!p1 $0x0;
	[sflag:s8] =	ssyncset.done $0x0  }
0x2d: {  	s13 =	sadd.s32 $0x14000, s22;
	s20 =	sadd.s32 $0x0, s20;
	[sflag:s8] =	ssyncadd.s32 $0xFFFFFF80  }
0x2e: {  	s25 =	sadd.s32 $0x1, s21;
	s28 =	sand.u32 $0x1, s20;
	_ =	strace $0x90000056  }
0x2f: {  	s24 =	sand.u32 $0x1, s20;
	s23 =	sshll.u32 s20, $0xE;
	_ =	strace $0x80000057  }
0x30: {  	[spmem:s4] =	stream.indirect.scatter.add.f32 [tilespmem:s13], [sflag:$0x5], $0x80, s14, s15, $0x2000b8;
	[tilespmem:$0x1C100] =	vst v63  }
0x31: {  	s31 =	sshll.u32 s20, $0x7;
	s21 =	smov.u32 s20;
	_ =	swait.ge [sflag:s16], $0x4000  }
0x32: {  	s22 =	sand.u32 $0x4000, s23;
	s23 =	sand.u32 $0x80, s31;
	[sflag:s16] =	ssyncset.done $0x0  }
.LBB2_2:
0x33: {  	s19 =	sadd.s32 $0x1, s19  }
0x34: {  	[sflag:s16] =	ssyncadd.s32 $0xFFFFC000;
	p1 =	seq.s32 s19, $0x28  }
0x35: {  	_ =	strace $0x90000057;
	s19 =	simm.s32 @p1 $0x0  }
0x36: {  	s31 =	smov.u32 s30;
	s30 =	rddreg [dreg:$0x5];
	p2 =	seq.s32 s29, s19  }
0x37: {  	p1 =	sne.s32 s29, s19;
	s29 =	sadd.s32 $0x1, s28;
	s28 =	sand.u32 @!p2 $0x1, s31  }
0x38: {  	s0 =	sand.u32 @!p2 $0x1, s25;
	s30 =	sadd.s32 @!p2 s30, s19;
	s8 =	simm.s32 @!p2 $0x0  }
0x39: {  	_ =	strace @!p2 $0x80000053;
	s2 =	sshll.u32 @!p2 s28, $0xE;
	s14 =	sshll.u32 @!p2 s30, $0xB  }
0x3a: {  	s13 =	sshll.u32 @!p2 s0, $0x7;
	s30 =	sshll.u32 @!p2 s30, $0x4;
	s14 =	sand.u32 @!p2 $0x1FFFF800, s14  }
0x3b: {  	s28 =	sadd.s32 @!p2 $0x1, s28;
	s2 =	sadd.s32 @!p2 $0x14000, s2;
	s14 =	sadd.s32 @!p2 s6, s14  }
0x3c: {  	[tilespmem:s2], [sflag:s28] =	stream.linear.gather @!p2 [hbm4b:s14+s8], $0x4000, $0x200038;
	[tilespmem:$0x1C100] =	vst v63  }
0x3d: {  	s0 =	sadd.s32 @!p2 $0x3, s0;
	s30 =	sand.u32 @!p2 $0x1FFFFFF0, s30;
	_ =	strace @!p2 $0x90000053  }
0x3e: {  	s2 =	sor.u32 @!p2 $0x1C000, s13;
	s13 =	sadd.s32 @!p2 s1, s30;
	_ =	strace @!p2 $0x80000054  }
0x3f: {  	[tilespmem:s2], [sflag:s0] =	stream.linear.gather @!p2 [hbm4b:s13+s8], $0x80, $0x200038;
	[tilespmem:$0x1C100] =	vst v63  }
0x40: {  	_ =	strace @!p2 $0x90000054  }
0x41: {  	s3 =	simm.s32 @!p2 $0x1;
	_ =	strace $0x80000055  }
0x42: {  	s26 =	sadd.s32 $0xFFFFFFFF, s26;
	s3 =	simm.s32 @p2 $0x0;
	_ =	swait.ge [sflag:s29], $0x4000  }
0x43: {  	p0 =	sne.s32 s26, $0x0;
	s25 =	sadd.s32 s25, s3;
	[sflag:s29] =	ssyncset.done $0x0  }
0x44: {  	s30 =	sadd.s32 @!p2 $0x1, s31;
	s14 =	sadd.s32 $0x14000, s22;
	[sflag:s29] =	ssyncadd.s32 $0xFFFFC000  }
0x45: {  	s30 =	smov.u32 @p2 s31;
	s0 =	simm.s32 $0x1;
	_ =	strace $0x90000055  }
0x46: {  	s13 =	sadd.s32 $0x3, s24;
	s0 =	simm.s32 @!p1 $0x0;
	_ =	strace $0x80000056  }
0x47: {  	s31 =	sor.u32 $0x1C000, s23;
	s20 =	sadd.s32 s0, s20;
	_ =	swait.ge [sflag:s13], $0x80  }
0x48: {  	s21 =	sadd.s32 s0, s21;
	s28 =	sand.u32 $0x1, s20;
	[sflag:s13] =	ssyncset.done $0x0  }
0x49: {  	s0 =	sand.u32 $0x1, s21;
	s3 =	sshll.u32 s20, $0xE;
	[sflag:s13] =	ssyncadd.s32 $0xFFFFFF80  }
.Ltmp0:
0x4a: {  	s8 =	sshll.u32 s21, $0x7;
	_ =	strace $0x90000056;
	(pc) =	sbr.rel @p0 .LBB2_2-.Ltmp0, $4  }
0x4b: {  	s2 =	sand.u32 $0x4000, s3;
	s3 =	sand.u32 $0x80, s8;
	_ =	strace $0x80000057  }
0x4c: {  	[spmem:s4] =	stream.indirect.scatter.add.f32 [tilespmem:s14], [sflag:$0x5], $0x80, s31, s15, $0x2000b8;
	[tilespmem:$0x1C100] =	vst v63  }
0x4d: {  	s24 =	smov.u32 s0;
	s29 =	smov.u32 s19;
	_ =	swait.ge [sflag:s16], $0x4000  }
0x4e: {  	s22 =	smov.u32 s2;
	s23 =	smov.u32 s3;
	[sflag:s16] =	ssyncset.done $0x0  }
0x4f: {  	s0 =	sadd.s32 $0x1, s19  }
0x50: {  	[sflag:s16] =	ssyncadd.s32 $0xFFFFC000;
	p0 =	seq.s32 s0, $0x28  }
0x51: {  	_ =	strace $0x90000057;
	s0 =	simm.s32 @p0 $0x0  }
0x52: {  	s2 =	rddreg [dreg:$0x5];
	p0 =	seq.s32 s29, s0  }
0x53: {  	s3 =	sand.u32 @!p0 $0x1, s30;
	s2 =	sadd.s32 @!p0 s2, s0  }
0x54: {  	s14 =	simm.s32 @!p0 $0x0;
	_ =	strace @!p0 $0x80000053;
	s13 =	sshll.u32 @!p0 s2, $0xB  }
0x55: {  	s8 =	sshll.u32 @!p0 s3, $0xE;
	s3 =	sadd.s32 @!p0 $0x1, s3;
	s13 =	sand.u32 @!p0 $0x1FFFF800, s13  }
0x56: {  	s2 =	sshll.u32 @!p0 s2, $0x4;
	s8 =	sadd.s32 @!p0 $0x14000, s8;
	s13 =	sadd.s32 @!p0 s6, s13  }
0x57: {  	[tilespmem:s8], [sflag:s3] =	stream.linear.gather @!p0 [hbm4b:s13+s14], $0x4000, $0x200038;
	[tilespmem:$0x1C100] =	vst v63  }
0x58: {  	s2 =	sand.u32 @!p0 $0x1FFFFFF0, s2;
	s3 =	sand.u32 @!p0 $0x1, s25  }
0x59: {  	s2 =	sadd.s32 @!p0 s1, s2;
	s8 =	sshll.u32 @!p0 s3, $0x7;
	_ =	strace @!p0 $0x90000053  }
0x5a: {  	s3 =	sadd.s32 @!p0 $0x3, s3;
	s8 =	sor.u32 @!p0 $0x1C000, s8;
	_ =	strace @!p0 $0x80000054  }
0x5b: {  	[tilespmem:s8], [sflag:s3] =	stream.linear.gather @!p0 [hbm4b:s2+s14], $0x80, $0x200038;
	[tilespmem:$0x1C100] =	vst v63  }
0x5c: {  	_ =	strace @!p0 $0x90000054  }
0x5d: {  	s19 =	sadd.s32 $0x1, s28;
	_ =	strace $0x80000055  }
0x5e: {  	_ =	swait.ge [sflag:s19], $0x4000  }
0x5f: {  	[sflag:s19] =	ssyncset.done $0x0  }
0x60: {  	[sflag:s19] =	ssyncadd.s32 $0xFFFFC000  }
0x61: {  	_ =	strace $0x90000055  }
0x62: {  	s25 =	sadd.s32 $0x3, s24;
	_ =	strace $0x80000056  }
0x63: {  	_ =	swait.ge [sflag:s25], $0x80  }
0x64: {  	[sflag:s25] =	ssyncset.done $0x0  }
0x65: {  	[sflag:s25] =	ssyncadd.s32 $0xFFFFFF80  }
0x66: {  	_ =	strace $0x90000056  }
0x67: {  	s26 =	sadd.s32 $0x14000, s22;
	s28 =	sor.u32 $0x1C000, s23;
	_ =	strace $0x80000057  }
0x68: {  	[spmem:s4] =	stream.indirect.scatter.add.f32 [tilespmem:s26], [sflag:$0x5], $0x80, s28, s15, $0x2000b8;
	[tilespmem:$0x1C100] =	vst v63  }
0x69: {  	p0 =	sne.s32 s29, s0;
	s0 =	simm.s32 $0x1;
	_ =	swait.ge [sflag:s16], $0x4000  }
0x6a: {  	s0 =	simm.s32 @!p0 $0x0;
	[sflag:s16] =	ssyncset.done $0x0  }
0x6b: {  	s29 =	sadd.s32 s0, s20;
	[sflag:s16] =	ssyncadd.s32 $0xFFFFC000  }
0x6c: {  	s30 =	sand.u32 $0x1, s29;
	_ =	strace $0x90000057  }
0x6d: {  	s3 =	sadd.s32 $0x1, s30;
	_ =	strace $0x80000055  }
0x6e: {  	_ =	swait.ge [sflag:s3], $0x4000  }
0x6f: {  	[sflag:s3] =	ssyncset.done $0x0  }
0x70: {  	s0 =	sadd.s32 s0, s21;
	[sflag:s3] =	ssyncadd.s32 $0xFFFFC000  }
0x71: {  	s31 =	sand.u32 $0x1, s0;
	_ =	strace $0x90000055  }
0x72: {  	s3 =	sadd.s32 $0x3, s31;
	_ =	strace $0x80000056  }
0x73: {  	_ =	swait.ge [sflag:s3], $0x80  }
0x74: {  	[sflag:s3] =	ssyncset.done $0x0  }
0x75: {  	s2 =	sshll.u32 s29, $0xE;
	s0 =	sshll.u32 s0, $0x7;
	[sflag:s3] =	ssyncadd.s32 $0xFFFFFF80  }
0x76: {  	s2 =	sand.u32 $0x4000, s2;
	s0 =	sand.u32 $0x80, s0;
	_ =	strace $0x90000056  }
0x77: {  	s2 =	sadd.s32 $0x14000, s2;
	s0 =	sor.u32 $0x1C000, s0;
	_ =	strace $0x80000057  }
0x78: {  	[spmem:s4] =	stream.indirect.scatter.add.f32 [tilespmem:s2], [sflag:$0x5], $0x80, s0, s15, $0x2000b8;
	[tilespmem:$0x1C100] =	vst v63  }
0x79: {  	_ =	swait.ge [sflag:s16], $0x4000  }
0x7a: {  	[sflag:s16] =	ssyncset.done $0x0  }
0x7b: {  	s18 =	sadd.s32 $0x1, s18;
	[sflag:s16] =	ssyncadd.s32 $0xFFFFC000  }
0x7c: {  	p0 =	sne.s32 s18, s11;
	_ =	strace $0x90000057  }
.Ltmp1:
0x7d: {  	[bflag:$0x0] =	sbarrier.arrive $0xFFFF;
	(pc) =	sbr.rel @p0 .LBB2_1-.Ltmp1, $4  }
0x7e: {  	[hbm:s10], [sflag:s7] =	dma.local [spmem:s12], $0x2800  }
0x7f: {  	_ =	swait.ge [sflag:s17], $0x2800  }
0x80: {  	[sflag:s17] =	ssyncset.done $0x0  }
0x81: {  	[sflag:s17] =	ssyncadd.s32 $0xFFFFD800  }
0x82: {  	_ =	sfence.sel $0x180000  }
0x83: {  	[bflag:$0x0] =	sbarrier.arrive $0xFFFF  }
0x84: {  	_ =	strace $0x90000051  }
0x85: {  	s0 =	stileid.u32;
	[bflag:$0x2] =	sbarrier.arrive $0xFFFF  }
0x86: {  	p0 =	sne.s32 s0, $0x0;
	s0 =	rddreg [dreg:$0x4]  }
0x87: {  	s0 =	sadd.s32 @!p0 $0x100000, s0  }
0x88: {  	[sflag:s0] =	ssyncadd.tile.s32 @!p0 $0x1;
	_ =	shalt  }
.Lfunc_end2:
_tile_overlayer_lowered:
.L_overlay_start_2:
0x89: {  	(tag) =	ssettag $0x2  }
0x8a: {  	s0 =	rddreg [dreg:$0x0];
	s2 =	stileid.u32  }
0x8b: {  	s1 =	rddreg [dreg:$0x1];
	p0 =	sne.s32 s2, $0x0  }
0x8c: {  	s3 =	rddreg [dreg:$0x2];
	[bflag:$0x3] =	sbarrier.arrive $0xFFFF;
	s2 =	simm.s32 @!p0 $0x1C01  }
0x8d: {  	[timem:s3], [sflag:s2] =	dma.local @!p0 [hbm:s0], s1  }
0x8e: {  	s0 =	simm.s32 @!p0 $0x1  }
0x8f: {  	_ =	swait.ge @!p0 [sflag:s0], s1  }
0x90: {  	s1 =	ssub.s32 @!p0 $0x0, s1;
	[sflag:s0] =	ssyncset.done @!p0 $0x0  }
0x91: {  	[sflag:s0] =	ssyncadd.s32 @!p0 s1  }
0x92: {  	[bflag:$0x3] =	sbarrier.arrive $0xFFFF  }
0x93: {  	_ =	shalt  }

</sc_bundles>
